<compile_context>
chip_gen: v7x
topology: tpu7x:2x2x1
jax: 0.10.2.dev20260603
libtpu: 0.0.44.dev20260713+nightly
codegen_flags: <defaults>
</compile_context>

<pallas_src>
import functools

import jax
import jax.numpy as jnp
from jax import lax
from jax.experimental import pallas as pl
from jax.experimental.pallas import tpu as pltpu
from jax.experimental.pallas import tpu_sc as plsc

N_ATOMS = 8192
N_GRAPHS = 512
HIDDEN = 128
FILTERS = 128
N_INTER = 3
N_GAUSS = 50
NGP = 64
CUTOFF = 10.0
CH = 32
N_CHUNKS = N_ATOMS // CH
ROWS = 1024
LOG2 = 0.6931471805599453


def _ssp(x):
    return jnp.maximum(x, 0.0) + jnp.log1p(jnp.exp(-jnp.abs(x))) - LOG2


def _sc_embed_gather(z2, emb):
    info = plsc.get_sparse_core_info()
    nc, ns = info.num_cores, info.num_subcores
    nw = nc * ns
    rows_per_w = N_ATOMS // (nw * 128)
    mesh = plsc.VectorSubcoreMesh(core_axis_name="c", subcore_axis_name="s")

    @functools.partial(
        pl.kernel, mesh=mesh,
        out_type=jax.ShapeDtypeStruct((N_ATOMS, HIDDEN), jnp.float32),
        scratch_types=[
            pltpu.VMEM((rows_per_w, 128), jnp.int32),
            pltpu.VMEM((128, HIDDEN), jnp.float32),
            pltpu.SemaphoreType.DMA,
        ],
    )
    def k(z_hbm, emb_hbm, out_hbm, idx_v, rows_v, sem):
        wid = lax.axis_index("s") * nc + lax.axis_index("c")
        r0 = wid * rows_per_w
        pltpu.sync_copy(z_hbm.at[pl.ds(r0, rows_per_w)], idx_v)
        for kk in range(rows_per_w):
            pltpu.async_copy(emb_hbm.at[idx_v.at[kk]], rows_v, sem).wait()
            pltpu.sync_copy(
                rows_v, out_hbm.at[pl.ds((r0 + kk) * 128, 128)])

    return k(z2, emb)


def _xf_body(h_ref, w_ref, out_ref):
    out_ref[...] = jnp.dot(h_ref[...], w_ref[...],
                           preferred_element_type=jnp.float32)


def _update_body(h_ref, agg_ref, l2w_ref, l2b_ref, lw_ref, lb_ref, out_ref):
    v = _ssp(jnp.dot(agg_ref[...], l2w_ref[...],
                     preferred_element_type=jnp.float32) + l2b_ref[...])
    v = jnp.dot(v, lw_ref[...], preferred_element_type=jnp.float32) + lb_ref[...]
    out_ref[...] = h_ref[...] + v


def _pair_body(meta_ref, p_i_ref, sq_i_ref, b_i_ref, xf3_ref, pos3_ref,
               sq3_ref, b3_ref, offs_ref, coeff_ref, w1_ref, b1_ref, w2_ref,
               b2_ref, sel_ref, sel2_ref, selit_ref, sel2t_ref, agg_ref):
    c = pl.program_id(0)
    t0 = meta_ref[c, 0]
    nt = meta_ref[c, 1]
    i0 = c * CH
    p_i = p_i_ref[...]
    sq_i = sq_i_ref[...]
    b_i = b_i_ref[...]
    row_ids = i0 + lax.broadcasted_iota(jnp.int32, (CH, 1), 0)
    coeff = coeff_ref[0, 0]
    cut2 = CUTOFF * CUTOFF
    selI = sel_ref[...]
    sel2 = sel2_ref[...]
    p_i_flat = jnp.dot(selit_ref[...], p_i,
                       preferred_element_type=jnp.float32)
    lane_xyz = (lax.broadcasted_iota(jnp.int32, (1, 8), 1) < 3)
    lane_xyz = lane_xyz.astype(jnp.float32)

    def body(s, acc):
        t = t0 + s
        j0 = t * CH
        p_j = pos3_ref[t]
        sq_j = sq3_ref[t]
        b_j = b3_ref[t]
        xf_j = xf3_ref[t]
        col_ids = j0 + lax.broadcasted_iota(jnp.int32, (1, CH), 1)
        cross = lax.dot_general(p_i, p_j, (((1,), (1,)), ((), ())),
                                preferred_element_type=jnp.float32)
        d2 = sq_i + sq_j - 2.0 * cross
        mask = (d2 < cut2) & (b_i == b_j) & (row_ids != col_ids)
        ew_m = jnp.sqrt(jnp.maximum(d2, 0.0) + 1e-12)
        cc = 0.5 * (jnp.cos(ew_m * (jnp.pi / CUTOFF)) + 1.0)
        scale = jnp.where(mask, cc, 0.0)
        scale_wide = jnp.dot(scale, sel2t_ref[...],
                             preferred_element_type=jnp.float32)
        red = selI * scale_wide
        p_j_flat = jnp.dot(sel2, p_j, preferred_element_type=jnp.float32)
        diff = p_i_flat - p_j_flat
        ew2 = jnp.sum(diff * diff * lane_xyz, axis=1, keepdims=True)
        ew = jnp.sqrt(ew2 + 1e-12)
        attr = jnp.exp(coeff * (ew - offs_ref[...]) ** 2)
        w = _ssp(jnp.dot(attr, w1_ref[...],
                         preferred_element_type=jnp.float32) + b1_ref[...])
        w = jnp.dot(w, w2_ref[...],
                    preferred_element_type=jnp.float32) + b2_ref[...]
        xfb = jnp.dot(sel2, xf_j, preferred_element_type=jnp.float32)
        acc = acc + jnp.dot(red, w * xfb,
                            preferred_element_type=jnp.float32)
        return acc

    agg_ref[...] = lax.fori_loop(
        0, nt, body, jnp.zeros((CH, FILTERS), jnp.float32))


def _readout_body(h_ref, bc_ref, w1_ref, b1_ref, w2r_ref, b2_ref, out_ref):
    c = pl.program_id(0)
    i0 = c * CH
    hh = _ssp(jnp.dot(h_ref[...], w1_ref[...],
                      preferred_element_type=jnp.float32) + b1_ref[...])
    e = jnp.sum(hh * w2r_ref[...], axis=1, keepdims=True) + b2_ref[0, 0]
    b_i = bc_ref[pl.ds(i0, CH), :]
    onehot = (b_i == lax.broadcasted_iota(jnp.int32, (CH, N_GRAPHS), 1))
    contrib = lax.dot_general(e, onehot.astype(jnp.float32),
                              (((0,), (0,)), ((), ())),
                              preferred_element_type=jnp.float32)

    @pl.when(c == 0)
    def _():
        out_ref[...] = jnp.zeros_like(out_ref)

    out_ref[...] += contrib


def _full(shape):
    return pl.BlockSpec(shape, lambda c: (0,) * len(shape))


def kernel(z, pos, batch, emb, mlp_w1, mlp_b1, mlp_w2, mlp_b2, lin1_w,
           lin2_w, lin2_b, lin_w, lin_b, out1_w, out1_b, out2_w, out2_b):
    batch = batch.astype(jnp.int32)
    z = z.astype(jnp.int32)

    pos_pad = jnp.zeros((N_ATOMS, 8), jnp.float32).at[:, :3].set(pos)
    sq = jnp.sum(pos * pos, axis=1)
    sq_col = sq[:, None]
    b_col = batch[:, None]

    gids = jnp.arange(N_GRAPHS, dtype=batch.dtype)
    seg_start = jnp.searchsorted(batch, gids, side="left").astype(jnp.int32)
    seg_end = jnp.searchsorted(batch, gids, side="right").astype(jnp.int32)
    bmat = batch.reshape(N_CHUNKS, CH)
    lo = seg_start[bmat[:, 0]]
    hi = seg_end[bmat[:, CH - 1]]
    t0 = lo // CH
    nt = (hi + CH - 1) // CH - t0
    meta = jnp.stack([t0, nt], axis=1).astype(jnp.int32)

    offsets = jnp.linspace(0.0, CUTOFF, N_GAUSS)
    coeff = (-0.5 / (offsets[1] - offsets[0]) ** 2).reshape(1, 1)
    offs_pad = jnp.zeros((1, NGP), jnp.float32).at[0, :N_GAUSS].set(offsets)
    w1_pad = jnp.zeros((N_INTER, NGP, FILTERS), jnp.float32)
    w1_pad = w1_pad.at[:, :N_GAUSS, :].set(mlp_w1)
    sel = (jnp.arange(CH * CH, dtype=jnp.int32)[None, :] // CH
           == jnp.arange(CH, dtype=jnp.int32)[:, None]).astype(jnp.float32)
    sel2 = (jnp.arange(CH * CH, dtype=jnp.int32)[:, None] % CH
            == jnp.arange(CH, dtype=jnp.int32)[None, :]).astype(jnp.float32)
    selit = (jnp.arange(CH * CH, dtype=jnp.int32)[:, None] // CH
             == jnp.arange(CH, dtype=jnp.int32)[None, :]).astype(jnp.float32)
    sel2t = sel2.T

    h = _sc_embed_gather(z.reshape(N_ATOMS // 128, 128), emb)

    n_rb = N_ATOMS // ROWS
    for t in range(N_INTER):
        xf = pl.pallas_call(
            _xf_body,
            grid=(n_rb,),
            in_specs=[pl.BlockSpec((ROWS, HIDDEN), lambda c: (c, 0)),
                      _full((HIDDEN, FILTERS))],
            out_specs=pl.BlockSpec((ROWS, FILTERS), lambda c: (c, 0)),
            out_shape=jax.ShapeDtypeStruct((N_ATOMS, FILTERS), jnp.float32),
        )(h, lin1_w[t])

        agg = pl.pallas_call(
            _pair_body,
            grid=(N_CHUNKS,),
            in_specs=[pl.BlockSpec(memory_space=pltpu.SMEM),
                      pl.BlockSpec((CH, 8), lambda c: (c, 0)),
                      pl.BlockSpec((CH, 1), lambda c: (c, 0)),
                      pl.BlockSpec((CH, 1), lambda c: (c, 0)),
                      _full((N_CHUNKS, CH, FILTERS)),
                      _full((N_CHUNKS, CH, 8)),
                      _full((N_CHUNKS, 1, CH)),
                      _full((N_CHUNKS, 1, CH)),
                      _full((1, NGP)),
                      pl.BlockSpec(memory_space=pltpu.SMEM),
                      _full((NGP, FILTERS)),
                      _full((1, FILTERS)),
                      _full((FILTERS, FILTERS)),
                      _full((1, FILTERS)),
                      _full((CH, CH * CH)),
                      _full((CH * CH, CH)),
                      _full((CH * CH, CH)),
                      _full((CH, CH * CH))],
            out_specs=pl.BlockSpec((CH, FILTERS), lambda c: (c, 0)),
            out_shape=jax.ShapeDtypeStruct((N_ATOMS, FILTERS), jnp.float32),
        )(meta, pos_pad, sq_col, b_col, xf.reshape(N_CHUNKS, CH, FILTERS),
          pos_pad.reshape(N_CHUNKS, CH, 8), sq.reshape(N_CHUNKS, 1, CH),
          batch.reshape(N_CHUNKS, 1, CH), offs_pad,
          coeff, w1_pad[t], mlp_b1[t][None, :], mlp_w2[t],
          mlp_b2[t][None, :], sel, sel2, selit, sel2t)

        h = pl.pallas_call(
            _update_body,
            grid=(n_rb,),
            in_specs=[pl.BlockSpec((ROWS, HIDDEN), lambda c: (c, 0)),
                      pl.BlockSpec((ROWS, FILTERS), lambda c: (c, 0)),
                      _full((FILTERS, HIDDEN)),
                      _full((1, HIDDEN)),
                      _full((HIDDEN, HIDDEN)),
                      _full((1, HIDDEN))],
            out_specs=pl.BlockSpec((ROWS, HIDDEN), lambda c: (c, 0)),
            out_shape=jax.ShapeDtypeStruct((N_ATOMS, HIDDEN), jnp.float32),
        )(h, agg, lin2_w[t], lin2_b[t][None, :], lin_w[t], lin_b[t][None, :])

    energy = pl.pallas_call(
        _readout_body,
        grid=(N_CHUNKS,),
        in_specs=[pl.BlockSpec((CH, HIDDEN), lambda c: (c, 0)),
                  _full((N_ATOMS, 1)),
                  _full((HIDDEN, HIDDEN // 2)),
                  _full((1, HIDDEN // 2)),
                  _full((1, HIDDEN // 2)),
                  _full((1, 1))],
        out_specs=_full((1, N_GRAPHS)),
        out_shape=jax.ShapeDtypeStruct((1, N_GRAPHS), jnp.float32),
    )(h, b_col, out1_w, out1_b[None, :], out2_w.reshape(1, HIDDEN // 2),
      out2_b.reshape(1, 1))

    return energy.reshape(N_GRAPHS, 1)

# --- scband reference (transcript-rebuilt; emitter-appended) ---
"""Pipeline reference for scband-sch-net-model-8572754723103 (READ-ONLY COPY).

The authoritative reference and input builder live on the scoring server;
editing this copy changes nothing except your own understanding.
"""

import jax, jax.numpy as jnp
import numpy as np
from jax import lax

N_ATOMS = 8192
N_GRAPHS = 512
HIDDEN = 128
FILTERS = 128
N_INTER = 3
N_GAUSS = 50
CUTOFF = 10.0

def shifted_softplus(x):
    return jax.nn.softplus(x) - jnp.log(2.0)

def radius_graph(pos, batch):
    pn = np.asarray(pos)
    bn = np.asarray(batch)
    sq = np.sum(pn * pn, axis=1)
    d2 = sq[:, None] + sq[None, :] - 2.0 * (pn @ pn.T)
    mask = (d2 < CUTOFF * CUTOFF) & (bn[:, None] == bn[None, :])
    np.fill_diagonal(mask, False)
    row, col = np.nonzero(mask)  # row = target i, col = source j (graph is symmetric)
    return jnp.asarray(row), jnp.asarray(col)

def setup_inputs(seed: int = 0):
    key = jax.random.key(seed)
    ks = jax.random.split(key, 12)
    s = 0.05
    z = jax.random.randint(ks[0], (N_ATOMS,), 0, 100)
    pos = jax.random.normal(ks[1], (N_ATOMS, 3), dtype=jnp.float32)
    batch = jnp.sort(jax.random.randint(ks[2], (N_ATOMS,), 0, N_GRAPHS))
    emb = jax.random.normal(ks[3], (100, HIDDEN), dtype=jnp.float32) * s
    mlp_w1 = jax.random.normal(ks[4], (N_INTER, N_GAUSS, FILTERS), dtype=jnp.float32) * s
    mlp_b1 = jnp.zeros((N_INTER, FILTERS), dtype=jnp.float32)
    mlp_w2 = jax.random.normal(ks[5], (N_INTER, FILTERS, FILTERS), dtype=jnp.float32) * s
    mlp_b2 = jnp.zeros((N_INTER, FILTERS), dtype=jnp.float32)
    lin1_w = jax.random.normal(ks[6], (N_INTER, HIDDEN, FILTERS), dtype=jnp.float32) * s
    lin2_w = jax.random.normal(ks[7], (N_INTER, FILTERS, HIDDEN), dtype=jnp.float32) * s
    lin2_b = jnp.zeros((N_INTER, HIDDEN), dtype=jnp.float32)
    lin_w = jax.random.normal(ks[8], (N_INTER, HIDDEN, HIDDEN), dtype=jnp.float32) * s
    lin_b = jnp.zeros((N_INTER, HIDDEN), dtype=jnp.float32)
    out1_w = jax.random.normal(ks[9], (HIDDEN, HIDDEN // 2), dtype=jnp.float32) * s
    out1_b = jnp.zeros((HIDDEN // 2,), dtype=jnp.float32)
    out2_w = jax.random.normal(ks[10], (HIDDEN // 2, 1), dtype=jnp.float32) * s
    out2_b = jnp.zeros((1,), dtype=jnp.float32)
    return {"z": z, "pos": pos, "batch": batch, "emb": emb, "mlp_w1": mlp_w1, "mlp_b1": mlp_b1, "mlp_w2": mlp_w2, "mlp_b2": mlp_b2, "lin1_w": lin1_w, "lin2_w": lin2_w, "lin2_b": lin2_b, "lin_w": lin_w, "lin_b": lin_b, "out1_w": out1_w, "out1_b": out1_b, "out2_w": out2_w, "out2_b": out2_b}

def reference(z, pos, batch, emb, mlp_w1, mlp_b1, mlp_w2, mlp_b2, lin1_w, lin2_w, lin2_b, lin_w, lin_b, out1_w, out1_b, out2_w, out2_b):
    n = pos.shape[0]
    CHUNK = 64
    sq = jnp.sum(pos * pos, axis=1)
    idx = jnp.arange(n)
    offsets = jnp.linspace(0.0, CUTOFF, N_GAUSS)
    coeff = -0.5 / (offsets[1] - offsets[0]) ** 2

    def pair_blocks(start):
        p_i = lax.dynamic_slice(pos, (start, 0), (CHUNK, 3))
        sq_i = lax.dynamic_slice(sq, (start,), (CHUNK,))
        b_i = lax.dynamic_slice(batch, (start,), (CHUNK,))
        i_idx = start + jnp.arange(CHUNK)
        cross = (p_i[:, 0][:, None] * pos[:, 0][None, :]
                 + p_i[:, 1][:, None] * pos[:, 1][None, :]
                 + p_i[:, 2][:, None] * pos[:, 2][None, :])
        d2 = sq_i[:, None] + sq[None, :] - 2.0 * cross
        mask = (d2 < CUTOFF * CUTOFF) & (b_i[:, None] == batch[None, :]) & (i_idx[:, None] != idx[None, :])
        edge_vec = p_i[:, None, :] - pos[None, :, :]
        edge_weight = jnp.sqrt(jnp.sum(edge_vec * edge_vec, axis=-1) + 1e-12)
        # GaussianSmearing(0.0, cutoff, 50)
        edge_attr = jnp.exp(coeff * (edge_weight[:, :, None] - offsets[None, None, :]) ** 2)
        # cosine cutoff
        C = 0.5 * (jnp.cos(edge_weight * jnp.pi / CUTOFF) + 1.0)
        return mask, edge_attr, C

    starts = jnp.arange(0, n, CHUNK)
    h = emb[z]
    for t in range(N_INTER):
        xf = h @ lin1_w[t]  # lin1, no bias

        def chunk_agg(start):
            mask, edge_attr, C = pair_blocks(start)
            # CFConv filter network
            W = shifted_softplus(edge_attr @ mlp_w1[t] + mlp_b1[t]) @ mlp_w2[t] + mlp_b2[t]
            W = W * C[:, :, None]
            msg = xf[None, :, :] * W   # message x_j * W
            msg = jnp.where(mask[:, :, None], msg, jnp.zeros((), dtype=h.dtype))
            return jnp.sum(msg, axis=1)  # scatter-add to targets

        agg = lax.map(chunk_agg, starts).reshape(n, FILTERS)
        v = agg @ lin2_w[t] + lin2_b[t]
        v = shifted_softplus(v)
        v = v @ lin_w[t] + lin_b[t]
        h = h + v  # residual
    h = shifted_softplus(h @ out1_w + out1_b)
    h = h @ out2_w + out2_b
    energy = jax.ops.segment_sum(h, batch, num_segments=N_GRAPHS)  # readout='add'
    return energy

if __name__ == "__main__":
    import jax
    _d = setup_inputs()
    print(jax.jit(kernel)(*tuple(_d.values())))

</pallas_src>

<mosaic_0001>
#map = affine_map<(d0, d1) -> (0, 0)>
module attributes {stable_mosaic.version = 14 : i64} {
  func.func @k(%arg0: i32, %arg1: i32, %arg2: memref<64x128xi32, #tpu.memory_space<hbm>>, %arg3: memref<100x128xf32, #tpu.memory_space<hbm>>, %arg4: memref<8192x128xf32, #tpu.memory_space<hbm>>, %arg5: memref<2x128xi32, #tpu.memory_space<vmem>>, %arg6: memref<128x128xf32, #tpu.memory_space<vmem>>, %arg7: memref<!tpu.dma_semaphore, #tpu.memory_space<semaphore_mem>>) attributes {dimension_semantics = [#tpu.dimension_semantics<core_parallel>, #tpu.dimension_semantics<subcore_parallel>], iteration_bounds = array<i64: 2, 16>, scalar_prefetch = 0 : i64, scratch_operands = 3 : i64, tpu.core_type = #tpu.core_type<sc_vector_subcore>, window_params = [{transform_indices = #map}, {transform_indices = #map}, {transform_indices = #map}]} {
    %mul3A = arith.constant 2 : i32
    %mul3A_0 = arith.muli %arg1, %mul3A : i32
    %add3A = arith.addi %mul3A_0, %arg0 : i32
    %mul3A_1 = arith.constant 2 : i32
    %mul3A_2 = arith.muli %add3A, %mul3A_1 : i32
    "tpu.region"() ({
      %run_scoped3A = tpu.sem_alloc : memref<!tpu.dma_semaphore, #tpu.memory_space<semaphore_mem>>
      %dma_start3A_37 = arith.constant 0 : i32
      %dma_start3A_38 = tpu.memref_slice %arg2[%mul3A_2, %dma_start3A_37] : memref<64x128xi32, #tpu.memory_space<hbm>> -> memref<2x128xi32, #tpu.memory_space<hbm>>
      %dma_start3A_39 = arith.constant 0 : i32
      %dma_start3A_40 = tpu.memref_slice %arg2[%mul3A_2, %dma_start3A_39] : memref<64x128xi32, #tpu.memory_space<hbm>> -> memref<2x128xi32, #tpu.memory_space<hbm>>
      tpu.enqueue_dma source(%dma_start3A_40 : memref<2x128xi32, #tpu.memory_space<hbm>>) target(%arg5 : memref<2x128xi32, #tpu.memory_space<vmem>>) target_semaphore(%run_scoped3A : memref<!tpu.dma_semaphore, #tpu.memory_space<semaphore_mem>>)
      %dma_wait3A_41 = arith.constant 0 : i32
      %dma_wait3A_42 = tpu.memref_slice %arg2[%mul3A_2, %dma_wait3A_41] : memref<64x128xi32, #tpu.memory_space<hbm>> -> memref<2x128xi32, #tpu.memory_space<hbm>>
      %dma_wait3A_43 = arith.constant 0 : i32
      %dma_wait3A_44 = tpu.memref_slice %arg2[%mul3A_2, %dma_wait3A_43] : memref<64x128xi32, #tpu.memory_space<hbm>> -> memref<2x128xi32, #tpu.memory_space<hbm>>
      tpu.wait_dma2 semaphore(%run_scoped3A : memref<!tpu.dma_semaphore, #tpu.memory_space<semaphore_mem>>) src(%dma_wait3A_44 : memref<2x128xi32, #tpu.memory_space<hbm>>) dst(%arg5 : memref<2x128xi32, #tpu.memory_space<vmem>>)
      tpu.yield
    }) : () -> ()
    %dma_start3A = arith.constant 0 : i32
    %dma_start3A_3 = arith.constant 0 : i32
    %dma_start3A_4 = tpu.memref_slice %arg5[%dma_start3A, %dma_start3A_3] : memref<2x128xi32, #tpu.memory_space<vmem>> -> memref<1x128xi32, #tpu.memory_space<vmem>>
    %dma_start3A_5 = tpu.memref_squeeze %dma_start3A_4 : memref<1x128xi32, #tpu.memory_space<vmem>> -> memref<128xi32, #tpu.memory_space<vmem>>
    %dma_start3A_6 = arith.constant 0 : i32
    %dma_start3A_7 = arith.constant 0 : i32
    %dma_start3A_8 = tpu.memref_slice %arg3[%dma_start3A_6, %dma_start3A_7] : memref<100x128xf32, #tpu.memory_space<hbm>> -> memref<100x128xf32, #tpu.memory_space<hbm>>
    tpu.enqueue_indirect_dma source(%dma_start3A_8 : memref<100x128xf32, #tpu.memory_space<hbm>>) target(%arg6 : memref<128x128xf32, #tpu.memory_space<vmem>>) offsets(%dma_start3A_5 : memref<128xi32, #tpu.memory_space<vmem>>) semaphore(%arg7 : memref<!tpu.dma_semaphore, #tpu.memory_space<semaphore_mem>>)
    %dma_wait3A = arith.constant 0 : i32
    %dma_wait3A_9 = arith.constant 0 : i32
    %dma_wait3A_10 = tpu.memref_slice %arg5[%dma_wait3A, %dma_wait3A_9] : memref<2x128xi32, #tpu.memory_space<vmem>> -> memref<1x128xi32, #tpu.memory_space<vmem>>
    %dma_wait3A_11 = tpu.memref_squeeze %dma_wait3A_10 : memref<1x128xi32, #tpu.memory_space<vmem>> -> memref<128xi32, #tpu.memory_space<vmem>>
    %dma_wait3A_12 = arith.constant 0 : i32
    %dma_wait3A_13 = arith.constant 0 : i32
    %dma_wait3A_14 = tpu.memref_slice %arg3[%dma_wait3A_12, %dma_wait3A_13] : memref<100x128xf32, #tpu.memory_space<hbm>> -> memref<100x128xf32, #tpu.memory_space<hbm>>
    tpu.wait_indirect_dma semaphore(%arg7 : memref<!tpu.dma_semaphore, #tpu.memory_space<semaphore_mem>>) src(%dma_wait3A_14 : memref<100x128xf32, #tpu.memory_space<hbm>>) dst(%arg6 : memref<128x128xf32, #tpu.memory_space<vmem>>)
    %add3A_15 = arith.constant 0 : i32
    %add3A_16 = arith.addi %mul3A_2, %add3A_15 : i32
    %mul3A_17 = arith.constant 128 : i32
    %mul3A_18 = arith.muli %add3A_16, %mul3A_17 : i32
    "tpu.region"() ({
      %run_scoped3A = tpu.sem_alloc : memref<!tpu.dma_semaphore, #tpu.memory_space<semaphore_mem>>
      %dma_start3A_37 = arith.constant 0 : i32
      %dma_start3A_38 = tpu.memref_slice %arg4[%mul3A_18, %dma_start3A_37] : memref<8192x128xf32, #tpu.memory_space<hbm>> -> memref<128x128xf32, #tpu.memory_space<hbm>>
      %dma_start3A_39 = arith.constant 0 : i32
      %dma_start3A_40 = tpu.memref_slice %arg4[%mul3A_18, %dma_start3A_39] : memref<8192x128xf32, #tpu.memory_space<hbm>> -> memref<128x128xf32, #tpu.memory_space<hbm>>
      tpu.enqueue_dma source(%arg6 : memref<128x128xf32, #tpu.memory_space<vmem>>) target(%dma_start3A_40 : memref<128x128xf32, #tpu.memory_space<hbm>>) target_semaphore(%run_scoped3A : memref<!tpu.dma_semaphore, #tpu.memory_space<semaphore_mem>>)
      %dma_wait3A_41 = arith.constant 0 : i32
      %dma_wait3A_42 = tpu.memref_slice %arg4[%mul3A_18, %dma_wait3A_41] : memref<8192x128xf32, #tpu.memory_space<hbm>> -> memref<128x128xf32, #tpu.memory_space<hbm>>
      %dma_wait3A_43 = arith.constant 0 : i32
      %dma_wait3A_44 = tpu.memref_slice %arg4[%mul3A_18, %dma_wait3A_43] : memref<8192x128xf32, #tpu.memory_space<hbm>> -> memref<128x128xf32, #tpu.memory_space<hbm>>
      tpu.wait_dma2 semaphore(%run_scoped3A : memref<!tpu.dma_semaphore, #tpu.memory_space<semaphore_mem>>) src(%arg6 : memref<128x128xf32, #tpu.memory_space<vmem>>) dst(%dma_wait3A_44 : memref<128x128xf32, #tpu.memory_space<hbm>>)
      tpu.yield
    }) : () -> ()
    %dma_start3A_19 = arith.constant 1 : i32
    %dma_start3A_20 = arith.constant 0 : i32
    %dma_start3A_21 = tpu.memref_slice %arg5[%dma_start3A_19, %dma_start3A_20] : memref<2x128xi32, #tpu.memory_space<vmem>> -> memref<1x128xi32, #tpu.memory_space<vmem>>
    %dma_start3A_22 = tpu.memref_squeeze %dma_start3A_21 : memref<1x128xi32, #tpu.memory_space<vmem>> -> memref<128xi32, #tpu.memory_space<vmem>>
    %dma_start3A_23 = arith.constant 0 : i32
    %dma_start3A_24 = arith.constant 0 : i32
    %dma_start3A_25 = tpu.memref_slice %arg3[%dma_start3A_23, %dma_start3A_24] : memref<100x128xf32, #tpu.memory_space<hbm>> -> memref<100x128xf32, #tpu.memory_space<hbm>>
    tpu.enqueue_indirect_dma source(%dma_start3A_25 : memref<100x128xf32, #tpu.memory_space<hbm>>) target(%arg6 : memref<128x128xf32, #tpu.memory_space<vmem>>) offsets(%dma_start3A_22 : memref<128xi32, #tpu.memory_space<vmem>>) semaphore(%arg7 : memref<!tpu.dma_semaphore, #tpu.memory_space<semaphore_mem>>)
    %dma_wait3A_26 = arith.constant 1 : i32
    %dma_wait3A_27 = arith.constant 0 : i32
    %dma_wait3A_28 = tpu.memref_slice %arg5[%dma_wait3A_26, %dma_wait3A_27] : memref<2x128xi32, #tpu.memory_space<vmem>> -> memref<1x128xi32, #tpu.memory_space<vmem>>
    %dma_wait3A_29 = tpu.memref_squeeze %dma_wait3A_28 : memref<1x128xi32, #tpu.memory_space<vmem>> -> memref<128xi32, #tpu.memory_space<vmem>>
    %dma_wait3A_30 = arith.constant 0 : i32
    %dma_wait3A_31 = arith.constant 0 : i32
    %dma_wait3A_32 = tpu.memref_slice %arg3[%dma_wait3A_30, %dma_wait3A_31] : memref<100x128xf32, #tpu.memory_space<hbm>> -> memref<100x128xf32, #tpu.memory_space<hbm>>
    tpu.wait_indirect_dma semaphore(%arg7 : memref<!tpu.dma_semaphore, #tpu.memory_space<semaphore_mem>>) src(%dma_wait3A_32 : memref<100x128xf32, #tpu.memory_space<hbm>>) dst(%arg6 : memref<128x128xf32, #tpu.memory_space<vmem>>)
    %add3A_33 = arith.constant 1 : i32
    %add3A_34 = arith.addi %mul3A_2, %add3A_33 : i32
    %mul3A_35 = arith.constant 128 : i32
    %mul3A_36 = arith.muli %add3A_34, %mul3A_35 : i32
    "tpu.region"() ({
      %run_scoped3A = tpu.sem_alloc : memref<!tpu.dma_semaphore, #tpu.memory_space<semaphore_mem>>
      %dma_start3A_37 = arith.constant 0 : i32
      %dma_start3A_38 = tpu.memref_slice %arg4[%mul3A_36, %dma_start3A_37] : memref<8192x128xf32, #tpu.memory_space<hbm>> -> memref<128x128xf32, #tpu.memory_space<hbm>>
      %dma_start3A_39 = arith.constant 0 : i32
      %dma_start3A_40 = tpu.memref_slice %arg4[%mul3A_36, %dma_start3A_39] : memref<8192x128xf32, #tpu.memory_space<hbm>> -> memref<128x128xf32, #tpu.memory_space<hbm>>
      tpu.enqueue_dma source(%arg6 : memref<128x128xf32, #tpu.memory_space<vmem>>) target(%dma_start3A_40 : memref<128x128xf32, #tpu.memory_space<hbm>>) target_semaphore(%run_scoped3A : memref<!tpu.dma_semaphore, #tpu.memory_space<semaphore_mem>>)
      %dma_wait3A_41 = arith.constant 0 : i32
      %dma_wait3A_42 = tpu.memref_slice %arg4[%mul3A_36, %dma_wait3A_41] : memref<8192x128xf32, #tpu.memory_space<hbm>> -> memref<128x128xf32, #tpu.memory_space<hbm>>
      %dma_wait3A_43 = arith.constant 0 : i32
      %dma_wait3A_44 = tpu.memref_slice %arg4[%mul3A_36, %dma_wait3A_43] : memref<8192x128xf32, #tpu.memory_space<hbm>> -> memref<128x128xf32, #tpu.memory_space<hbm>>
      tpu.wait_dma2 semaphore(%run_scoped3A : memref<!tpu.dma_semaphore, #tpu.memory_space<semaphore_mem>>) src(%arg6 : memref<128x128xf32, #tpu.memory_space<vmem>>) dst(%dma_wait3A_44 : memref<128x128xf32, #tpu.memory_space<hbm>>)
      tpu.yield
    }) : () -> ()
    return
  }
}

module attributes {stable_mosaic.version = 14 : i64} {
  func.func @_xf_body(%arg0: i32, %arg1: memref<1024x128xf32, #tpu.memory_space<vmem>>, %arg2: memref<128x128xf32, #tpu.memory_space<vmem>>, %arg3: memref<1024x128xf32, #tpu.memory_space<vmem>>) attributes {dimension_semantics = [#tpu.dimension_semantics<arbitrary>], iteration_bounds = array<i64: 8>, scalar_prefetch = 0 : i64, scratch_operands = 0 : i64, tpu.core_type = #tpu.core_type<tc>, window_params = [{transform_indices = @transform_0, window_bounds = array<i64: 1024, 128>}, {pipeline_mode = #tpu.pipeline_mode<synchronous>, transform_indices = @transform_1, window_bounds = array<i64: 128, 128>}, {transform_indices = @transform_2, window_bounds = array<i64: 1024, 128>}]} {
    %get3A = arith.constant 0 : index
    %get3A_0 = arith.constant 0 : index
    %get3A_1 = vector.load %arg1[%get3A, %get3A_0] : memref<1024x128xf32, #tpu.memory_space<vmem>>, vector<1024x128xf32>
    %get3A_2 = arith.constant 0 : index
    %get3A_3 = arith.constant 0 : index
    %get3A_4 = vector.load %arg2[%get3A_2, %get3A_3] : memref<128x128xf32, #tpu.memory_space<vmem>>, vector<128x128xf32>
    %dot_general3A = arith.constant dense<0.000000e+00> : vector<1024x128xf32>
    %dot_general3A_5 = tpu.matmul %get3A_1, %get3A_4, %dot_general3A {dimension_numbers = #tpu.dot_dimension_numbers<[1], [0], [0], [1], [0, 0, 1, 1], [], []>, transpose_lhs_hint = false} : vector<1024x128xf32>, vector<128x128xf32>, vector<1024x128xf32> -> vector<1024x128xf32>
    %swap3A = arith.constant 0 : index
    %swap3A_6 = arith.constant 0 : index
    %swap3A_7 = vector.load %arg3[%swap3A, %swap3A_6] : memref<1024x128xf32, #tpu.memory_space<vmem>>, vector<1024x128xf32>
    tpu.vector_store %arg3[%swap3A, %swap3A_6], %dot_general3A_5 {strides = array<i32>} : memref<1024x128xf32, #tpu.memory_space<vmem>>, vector<1024x128xf32>,
    return
  }
  func.func @transform_0(%arg0: i32) -> (i32, i32) {
    %c0_i32 = arith.constant 0 : i32
    %c0_i32_0 = arith.constant 0 : i32
    return %arg0, %c0_i32 : i32, i32
  }
  func.func @transform_1(%arg0: i32) -> (i32, i32) {
    %c0_i32 = arith.constant 0 : i32
    %c0_i32_0 = arith.constant 0 : i32
    %c0_i32_1 = arith.constant 0 : i32
    return %c0_i32, %c0_i32_0 : i32, i32
  }
  func.func @transform_2(%arg0: i32) -> (i32, i32) {
    %c0_i32 = arith.constant 0 : i32
    %c0_i32_0 = arith.constant 0 : i32
    return %arg0, %c0_i32 : i32, i32
  }
}

module attributes {stable_mosaic.version = 14 : i64} {
  func.func @_pair_body(%arg0: i32, %arg1: memref<256x2xi32, #tpu.memory_space<smem>>, %arg2: memref<32x8xf32, #tpu.memory_space<vmem>>, %arg3: memref<32x1xf32, #tpu.memory_space<vmem>>, %arg4: memref<32x1xi32, #tpu.memory_space<vmem>>, %arg5: memref<256x32x128xf32, #tpu.memory_space<vmem>>, %arg6: memref<256x32x8xf32, #tpu.memory_space<vmem>>, %arg7: memref<256x1x32xf32, #tpu.memory_space<vmem>>, %arg8: memref<256x1x32xi32, #tpu.memory_space<vmem>>, %arg9: memref<1x64xf32, #tpu.memory_space<vmem>>, %arg10: memref<1x1xf32, #tpu.memory_space<smem>>, %arg11: memref<64x128xf32, #tpu.memory_space<vmem>>, %arg12: memref<1x128xf32, #tpu.memory_space<vmem>>, %arg13: memref<128x128xf32, #tpu.memory_space<vmem>>, %arg14: memref<1x128xf32, #tpu.memory_space<vmem>>, %arg15: memref<32x1024xf32, #tpu.memory_space<vmem>>, %arg16: memref<1024x32xf32, #tpu.memory_space<vmem>>, %arg17: memref<1024x32xf32, #tpu.memory_space<vmem>>, %arg18: memref<32x1024xf32, #tpu.memory_space<vmem>>, %arg19: memref<32x128xf32, #tpu.memory_space<vmem>>) attributes {dimension_semantics = [#tpu.dimension_semantics<arbitrary>], iteration_bounds = array<i64: 256>, scalar_prefetch = 0 : i64, scratch_operands = 0 : i64, tpu.core_type = #tpu.core_type<tc>, window_params = [{transform_indices = @transform_0, window_bounds = array<i64: 256, 2>}, {transform_indices = @transform_1, window_bounds = array<i64: 32, 8>}, {transform_indices = @transform_2, window_bounds = array<i64: 32, 1>}, {transform_indices = @transform_3, window_bounds = array<i64: 32, 1>}, {pipeline_mode = #tpu.pipeline_mode<synchronous>, transform_indices = @transform_4, window_bounds = array<i64: 256, 32, 128>}, {pipeline_mode = #tpu.pipeline_mode<synchronous>, transform_indices = @transform_5, window_bounds = array<i64: 256, 32, 8>}, {pipeline_mode = #tpu.pipeline_mode<synchronous>, transform_indices = @transform_6, window_bounds = array<i64: 256, 1, 32>}, {pipeline_mode = #tpu.pipeline_mode<synchronous>, transform_indices = @transform_7, window_bounds = array<i64: 256, 1, 32>}, {pipeline_mode = #tpu.pipeline_mode<synchronous>, transform_indices = @transform_8, window_bounds = array<i64: 1, 64>}, {transform_indices = @transform_9, window_bounds = array<i64: 1, 1>}, {pipeline_mode = #tpu.pipeline_mode<synchronous>, transform_indices = @transform_10, window_bounds = array<i64: 64, 128>}, {pipeline_mode = #tpu.pipeline_mode<synchronous>, transform_indices = @transform_11, window_bounds = array<i64: 1, 128>}, {pipeline_mode = #tpu.pipeline_mode<synchronous>, transform_indices = @transform_12, window_bounds = array<i64: 128, 128>}, {pipeline_mode = #tpu.pipeline_mode<synchronous>, transform_indices = @transform_13, window_bounds = array<i64: 1, 128>}, {pipeline_mode = #tpu.pipeline_mode<synchronous>, transform_indices = @transform_14, window_bounds = array<i64: 32, 1024>}, {pipeline_mode = #tpu.pipeline_mode<synchronous>, transform_indices = @transform_15, window_bounds = array<i64: 1024, 32>}, {pipeline_mode = #tpu.pipeline_mode<synchronous>, transform_indices = @transform_16, window_bounds = array<i64: 1024, 32>}, {pipeline_mode = #tpu.pipeline_mode<synchronous>, transform_indices = @transform_17, window_bounds = array<i64: 32, 1024>}, {transform_indices = @transform_18, window_bounds = array<i64: 32, 128>}]} {
    %get3A = arith.index_cast %arg0 : i32 to index
    %get3A_0 = arith.constant 0 : index
    %get3A_1 = memref.load %arg1[%get3A, %get3A_0] : memref<256x2xi32, #tpu.memory_space<smem>>
    %get3A_2 = arith.index_cast %arg0 : i32 to index
    %get3A_3 = arith.constant 1 : index
    %get3A_4 = memref.load %arg1[%get3A_2, %get3A_3] : memref<256x2xi32, #tpu.memory_space<smem>>
    %mul3A = arith.constant 32 : i32
    %mul3A_5 = arith.muli %arg0, %mul3A : i32
    %get3A_6 = arith.constant 0 : index
    %get3A_7 = arith.constant 0 : index
    %get3A_8 = vector.load %arg2[%get3A_6, %get3A_7] : memref<32x8xf32, #tpu.memory_space<vmem>>, vector<32x8xf32>
    %get3A_9 = arith.constant 0 : index
    %get3A_10 = arith.constant 0 : index
    %get3A_11 = vector.load %arg3[%get3A_9, %get3A_10] : memref<32x1xf32, #tpu.memory_space<vmem>>, vector<32x1xf32>
    %get3A_12 = arith.constant 0 : index
    %get3A_13 = arith.constant 0 : index
    %get3A_14 = vector.load %arg4[%get3A_12, %get3A_13] : memref<32x1xi32, #tpu.memory_space<vmem>>, vector<32x1xi32>
    %iota3A = tpu.iota {dimensions = array<i32: 0>} : vector<32x1xi32>
    %add3A = vector.broadcast %mul3A_5 : i32 to vector<32x1xi32>
    %add3A_15 = arith.addi %add3A, %iota3A : vector<32x1xi32>
    %get3A_16 = arith.constant 0 : index
    %get3A_17 = arith.constant 0 : index
    %get3A_18 = memref.load %arg10[%get3A_16, %get3A_17] : memref<1x1xf32, #tpu.memory_space<smem>>
    %get3A_19 = arith.constant 0 : index
    %get3A_20 = arith.constant 0 : index
    %get3A_21 = vector.load %arg15[%get3A_19, %get3A_20] : memref<32x1024xf32, #tpu.memory_space<vmem>>, vector<32x1024xf32>
    %get3A_22 = arith.constant 0 : index
    %get3A_23 = arith.constant 0 : index
    %get3A_24 = vector.load %arg16[%get3A_22, %get3A_23] : memref<1024x32xf32, #tpu.memory_space<vmem>>, vector<1024x32xf32>
    %get3A_25 = arith.constant 0 : index
    %get3A_26 = arith.constant 0 : index
    %get3A_27 = vector.load %arg17[%get3A_25, %get3A_26] : memref<1024x32xf32, #tpu.memory_space<vmem>>, vector<1024x32xf32>
    %dot_general3A = arith.constant dense<0.000000e+00> : vector<1024x8xf32>
    %dot_general3A_28 = tpu.matmul %get3A_27, %get3A_8, %dot_general3A {dimension_numbers = #tpu.dot_dimension_numbers<[1], [0], [0], [1], [0, 0, 1, 1], [], []>, transpose_lhs_hint = false} : vector<1024x32xf32>, vector<32x8xf32>, vector<1024x8xf32> -> vector<1024x8xf32>
    %iota3A_29 = tpu.iota {dimensions = array<i32: 1>} : vector<1x8xi32>
    %lt3A = arith.constant 3 : i32
    %lt3A_30 = vector.broadcast %lt3A : i32 to vector<1x8xi32>
    %lt3A_31 = arith.cmpi slt, %iota3A_29, %lt3A_30 : vector<1x8xi32>
    %convert_element_type3A = arith.extui %lt3A_31 : vector<1x8xi1> to vector<1x8xi32>
    %convert_element_type3A_32 = arith.sitofp %convert_element_type3A : vector<1x8xi32> to vector<1x8xf32>
    %broadcast_in_dim3A = arith.constant 0.000000e+00 : f32
    %broadcast_in_dim3A_33 = vector.broadcast %broadcast_in_dim3A : f32 to vector<32x128xf32>
    %while3A = arith.constant 0 : i32
    %while3A_34 = arith.subi %get3A_4, %while3A : i32
    %while3A_35 = arith.addi %while3A, %while3A_34 : i32
    %while3A_36 = arith.constant 1 : i32
    %while3A_37 = arith.divsi %while3A_34, %while3A_36 : i32
    %while3A_38 = arith.muli %while3A_37, %while3A_36 : i32
    %while3A_39 = arith.addi %while3A, %while3A_38 : i32
    %while3A_40 = arith.constant 1 : i32
    %while3A_41 = scf.for %while3A_46 = %while3A to %while3A_39 step %while3A_40 iter_args(%while3A_47 = %broadcast_in_dim3A_33) -> (vector<32x128xf32>)  : i32 {
      %add3A_48 = arith.addi %get3A_1, %while3A_46 : i32
      %mul3A_49 = arith.constant 32 : i32
      %mul3A_50 = arith.muli %add3A_48, %mul3A_49 : i32
      %get3A_51 = arith.index_cast %add3A_48 : i32 to index
      %get3A_52 = arith.constant 0 : index
      %get3A_53 = arith.constant 0 : index
      %get3A_54 = vector.load %arg6[%get3A_51, %get3A_52, %get3A_53] : memref<256x32x8xf32, #tpu.memory_space<vmem>>, vector<1x32x8xf32>
      %get3A_55 = vector.shape_cast %get3A_54 : vector<1x32x8xf32> to vector<32x8xf32>
      %get3A_56 = arith.index_cast %add3A_48 : i32 to index
      %get3A_57 = arith.constant 0 : index
      %get3A_58 = arith.constant 0 : index
      %get3A_59 = vector.load %arg7[%get3A_56, %get3A_57, %get3A_58] : memref<256x1x32xf32, #tpu.memory_space<vmem>>, vector<1x1x32xf32>
      %get3A_60 = vector.shape_cast %get3A_59 : vector<1x1x32xf32> to vector<1x32xf32>
      %get3A_61 = arith.index_cast %add3A_48 : i32 to index
      %get3A_62 = arith.constant 0 : index
      %get3A_63 = arith.constant 0 : index
      %get3A_64 = vector.load %arg8[%get3A_61, %get3A_62, %get3A_63] : memref<256x1x32xi32, #tpu.memory_space<vmem>>, vector<1x1x32xi32>
      %get3A_65 = vector.shape_cast %get3A_64 : vector<1x1x32xi32> to vector<1x32xi32>
      %get3A_66 = arith.index_cast %add3A_48 : i32 to index
      %get3A_67 = arith.constant 0 : index
      %get3A_68 = arith.constant 0 : index
      %get3A_69 = vector.load %arg5[%get3A_66, %get3A_67, %get3A_68] : memref<256x32x128xf32, #tpu.memory_space<vmem>>, vector<1x32x128xf32>
      %get3A_70 = vector.shape_cast %get3A_69 : vector<1x32x128xf32> to vector<32x128xf32>
      %iota3A_71 = tpu.iota {dimensions = array<i32: 1>} : vector<1x32xi32>
      %add3A_72 = vector.broadcast %mul3A_50 : i32 to vector<1x32xi32>
      %add3A_73 = arith.addi %add3A_72, %iota3A_71 : vector<1x32xi32>
      %dot_general3A_74 = arith.constant dense<0.000000e+00> : vector<32x32xf32>
      %dot_general3A_75 = tpu.matmul %get3A_8, %get3A_55, %dot_general3A_74 {dimension_numbers = #tpu.dot_dimension_numbers<[1], [1], [0], [0], [0, 0, 1, 0], [], []>, transpose_lhs_hint = false} : vector<32x8xf32>, vector<32x8xf32>, vector<32x32xf32> -> vector<32x32xf32>
      %add3A_76 = vector.broadcast %get3A_11 : vector<32x1xf32> to vector<32x32xf32>
      %add3A_77 = vector.broadcast %get3A_60 : vector<1x32xf32> to vector<32x32xf32>
      %add3A_78 = arith.addf %add3A_76, %add3A_77 : vector<32x32xf32>
      %mul3A_79 = arith.constant 2.000000e+00 : f32
      %mul3A_80 = vector.broadcast %mul3A_79 : f32 to vector<32x32xf32>
      %mul3A_81 = arith.mulf %mul3A_80, %dot_general3A_75 : vector<32x32xf32>
      %sub3A = arith.subf %add3A_78, %mul3A_81 : vector<32x32xf32>
      %lt3A_82 = arith.constant 1.000000e+02 : f32
      %lt3A_83 = vector.broadcast %lt3A_82 : f32 to vector<32x32xf32>
      %lt3A_84 = arith.cmpf olt, %sub3A, %lt3A_83 : vector<32x32xf32>
      %eq3A = vector.broadcast %get3A_14 : vector<32x1xi32> to vector<32x32xi32>
      %eq3A_85 = vector.broadcast %get3A_65 : vector<1x32xi32> to vector<32x32xi32>
      %eq3A_86 = arith.cmpi eq, %eq3A, %eq3A_85 : vector<32x32xi32>
      %and3A = arith.andi %lt3A_84, %eq3A_86 : vector<32x32xi1>
      %ne3A = vector.broadcast %add3A_15 : vector<32x1xi32> to vector<32x32xi32>
      %ne3A_87 = vector.broadcast %add3A_73 : vector<1x32xi32> to vector<32x32xi32>
      %ne3A_88 = arith.cmpi ne, %ne3A, %ne3A_87 : vector<32x32xi32>
      %and3A_89 = arith.andi %and3A, %ne3A_88 : vector<32x32xi1>
      %max3A = arith.constant 0.000000e+00 : f32
      %max3A_90 = vector.broadcast %max3A : f32 to vector<32x32xf32>
      %max3A_91 = arith.maximumf %sub3A, %max3A_90 : vector<32x32xf32>
      %add3A_92 = arith.constant 9.99999996E-13 : f32
      %add3A_93 = vector.broadcast %add3A_92 : f32 to vector<32x32xf32>
      %add3A_94 = arith.addf %max3A_91, %add3A_93 : vector<32x32xf32>
      %sqrt3A = math.sqrt %add3A_94 : vector<32x32xf32>
      %mul3A_95 = arith.constant 0.314159274 : f32
      %mul3A_96 = vector.broadcast %mul3A_95 : f32 to vector<32x32xf32>
      %mul3A_97 = arith.mulf %sqrt3A, %mul3A_96 : vector<32x32xf32>
      %cos3A = math.cos %mul3A_97 : vector<32x32xf32>
      %add3A_98 = arith.constant 1.000000e+00 : f32
      %add3A_99 = vector.broadcast %add3A_98 : f32 to vector<32x32xf32>
      %add3A_100 = arith.addf %cos3A, %add3A_99 : vector<32x32xf32>
      %mul3A_101 = arith.constant 5.000000e-01 : f32
      %mul3A_102 = vector.broadcast %mul3A_101 : f32 to vector<32x32xf32>
      %mul3A_103 = arith.mulf %mul3A_102, %add3A_100 : vector<32x32xf32>
      %jit3A = arith.constant 0.000000e+00 : f32
      %broadcast_in_dim3A_104 = vector.broadcast %jit3A : f32 to vector<32x32xf32>
      %select_n3A = arith.select %and3A_89, %mul3A_103, %broadcast_in_dim3A_104 : vector<32x32xi1>, vector<32x32xf32>
      %get3A_105 = arith.constant 0 : index
      %get3A_106 = arith.constant 0 : index
      %get3A_107 = vector.load %arg18[%get3A_105, %get3A_106] : memref<32x1024xf32, #tpu.memory_space<vmem>>, vector<32x1024xf32>
      %dot_general3A_108 = arith.constant dense<0.000000e+00> : vector<32x1024xf32>
      %dot_general3A_109 = tpu.matmul %select_n3A, %get3A_107, %dot_general3A_108 {dimension_numbers = #tpu.dot_dimension_numbers<[1], [0], [0], [1], [0, 0, 1, 1], [], []>, transpose_lhs_hint = false} : vector<32x32xf32>, vector<32x1024xf32>, vector<32x1024xf32> -> vector<32x1024xf32>
      %mul3A_110 = arith.mulf %get3A_21, %dot_general3A_109 : vector<32x1024xf32>
      %dot_general3A_111 = arith.constant dense<0.000000e+00> : vector<1024x8xf32>
      %dot_general3A_112 = tpu.matmul %get3A_24, %get3A_55, %dot_general3A_111 {dimension_numbers = #tpu.dot_dimension_numbers<[1], [0], [0], [1], [0, 0, 1, 1], [], []>, transpose_lhs_hint = false} : vector<1024x32xf32>, vector<32x8xf32>, vector<1024x8xf32> -> vector<1024x8xf32>
      %sub3A_113 = arith.subf %dot_general3A_28, %dot_general3A_112 : vector<1024x8xf32>
      %mul3A_114 = arith.mulf %sub3A_113, %sub3A_113 : vector<1024x8xf32>
      %mul3A_115 = vector.broadcast %convert_element_type3A_32 : vector<1x8xf32> to vector<1024x8xf32>
      %mul3A_116 = arith.mulf %mul3A_114, %mul3A_115 : vector<1024x8xf32>
      %reduce_sum3A = arith.constant dense<0.000000e+00> : vector<1024xf32>
      %reduce_sum3A_117 = vector.multi_reduction <add>, %mul3A_116, %reduce_sum3A [1] : vector<1024x8xf32> to vector<1024xf32>
      %broadcast_in_dim3A_118 = vector.shape_cast %reduce_sum3A_117 : vector<1024xf32> to vector<1024x1xf32>
      %add3A_119 = arith.constant 9.99999996E-13 : f32
      %add3A_120 = vector.broadcast %add3A_119 : f32 to vector<1024x1xf32>
      %add3A_121 = arith.addf %broadcast_in_dim3A_118, %add3A_120 : vector<1024x1xf32>
      %sqrt3A_122 = math.sqrt %add3A_121 : vector<1024x1xf32>
      %get3A_123 = arith.constant 0 : index
      %get3A_124 = arith.constant 0 : index
      %get3A_125 = vector.load %arg9[%get3A_123, %get3A_124] : memref<1x64xf32, #tpu.memory_space<vmem>>, vector<1x64xf32>
      %sub3A_126 = vector.broadcast %sqrt3A_122 : vector<1024x1xf32> to vector<1024x64xf32>
      %sub3A_127 = vector.broadcast %get3A_125 : vector<1x64xf32> to vector<1024x64xf32>
      %sub3A_128 = arith.subf %sub3A_126, %sub3A_127 : vector<1024x64xf32>
      %integer_pow3A = arith.mulf %sub3A_128, %sub3A_128 : vector<1024x64xf32>
      %mul3A_129 = vector.broadcast %get3A_18 : f32 to vector<1024x64xf32>
      %mul3A_130 = arith.mulf %mul3A_129, %integer_pow3A : vector<1024x64xf32>
      %exp3A = math.exp %mul3A_130 : vector<1024x64xf32>
      %get3A_131 = arith.constant 0 : index
      %get3A_132 = arith.constant 0 : index
      %get3A_133 = vector.load %arg11[%get3A_131, %get3A_132] : memref<64x128xf32, #tpu.memory_space<vmem>>, vector<64x128xf32>
      %dot_general3A_134 = arith.constant dense<0.000000e+00> : vector<1024x128xf32>
      %dot_general3A_135 = tpu.matmul %exp3A, %get3A_133, %dot_general3A_134 {dimension_numbers = #tpu.dot_dimension_numbers<[1], [0], [0], [1], [0, 0, 1, 1], [], []>, transpose_lhs_hint = false} : vector<1024x64xf32>, vector<64x128xf32>, vector<1024x128xf32> -> vector<1024x128xf32>
      %get3A_136 = arith.constant 0 : index
      %get3A_137 = arith.constant 0 : index
      %get3A_138 = vector.load %arg12[%get3A_136, %get3A_137] : memref<1x128xf32, #tpu.memory_space<vmem>>, vector<1x128xf32>
      %add3A_139 = vector.broadcast %get3A_138 : vector<1x128xf32> to vector<1024x128xf32>
      %add3A_140 = arith.addf %dot_general3A_135, %add3A_139 : vector<1024x128xf32>
      %max3A_141 = arith.constant 0.000000e+00 : f32
      %max3A_142 = vector.broadcast %max3A_141 : f32 to vector<1024x128xf32>
      %max3A_143 = arith.maximumf %add3A_140, %max3A_142 : vector<1024x128xf32>
      %abs3A = math.absf %add3A_140 : vector<1024x128xf32>
      %neg3A = arith.constant 0.000000e+00 : f32
      %neg3A_144 = vector.broadcast %neg3A : f32 to vector<1024x128xf32>
      %neg3A_145 = arith.subf %neg3A_144, %abs3A : vector<1024x128xf32>
      %exp3A_146 = math.exp %neg3A_145 : vector<1024x128xf32>
      %log1p3A = math.log1p %exp3A_146 : vector<1024x128xf32>
      %add3A_147 = arith.addf %max3A_143, %log1p3A : vector<1024x128xf32>
      %sub3A_148 = arith.constant 0.693147182 : f32
      %sub3A_149 = vector.broadcast %sub3A_148 : f32 to vector<1024x128xf32>
      %sub3A_150 = arith.subf %add3A_147, %sub3A_149 : vector<1024x128xf32>
      %get3A_151 = arith.constant 0 : index
      %get3A_152 = arith.constant 0 : index
      %get3A_153 = vector.load %arg13[%get3A_151, %get3A_152] : memref<128x128xf32, #tpu.memory_space<vmem>>, vector<128x128xf32>
      %dot_general3A_154 = arith.constant dense<0.000000e+00> : vector<1024x128xf32>
      %dot_general3A_155 = tpu.matmul %sub3A_150, %get3A_153, %dot_general3A_154 {dimension_numbers = #tpu.dot_dimension_numbers<[1], [0], [0], [1], [0, 0, 1, 1], [], []>, transpose_lhs_hint = false} : vector<1024x128xf32>, vector<128x128xf32>, vector<1024x128xf32> -> vector<1024x128xf32>
      %get3A_156 = arith.constant 0 : index
      %get3A_157 = arith.constant 0 : index
      %get3A_158 = vector.load %arg14[%get3A_156, %get3A_157] : memref<1x128xf32, #tpu.memory_space<vmem>>, vector<1x128xf32>
      %add3A_159 = vector.broadcast %get3A_158 : vector<1x128xf32> to vector<1024x128xf32>
      %add3A_160 = arith.addf %dot_general3A_155, %add3A_159 : vector<1024x128xf32>
      %dot_general3A_161 = arith.constant dense<0.000000e+00> : vector<1024x128xf32>
      %dot_general3A_162 = tpu.matmul %get3A_24, %get3A_70, %dot_general3A_161 {dimension_numbers = #tpu.dot_dimension_numbers<[1], [0], [0], [1], [0, 0, 1, 1], [], []>, transpose_lhs_hint = false} : vector<1024x32xf32>, vector<32x128xf32>, vector<1024x128xf32> -> vector<1024x128xf32>
      %mul3A_163 = arith.mulf %add3A_160, %dot_general3A_162 : vector<1024x128xf32>
      %dot_general3A_164 = arith.constant dense<0.000000e+00> : vector<32x128xf32>
      %dot_general3A_165 = tpu.matmul %mul3A_110, %mul3A_163, %dot_general3A_164 {dimension_numbers = #tpu.dot_dimension_numbers<[1], [0], [0], [1], [0, 0, 1, 1], [], []>, transpose_lhs_hint = false} : vector<32x1024xf32>, vector<1024x128xf32>, vector<32x128xf32> -> vector<32x128xf32>
      %add3A_166 = arith.addf %while3A_47, %dot_general3A_165 : vector<32x128xf32>
      scf.yield %add3A_166 : vector<32x128xf32>
    }
    %while3A_42 = arith.constant 1 : i32
    %while3A_43 = scf.for %while3A_46 = %while3A_39 to %while3A_35 step %while3A_42 iter_args(%while3A_47 = %while3A_41) -> (vector<32x128xf32>)  : i32 {
      %add3A_48 = arith.addi %get3A_1, %while3A_46 : i32
      %mul3A_49 = arith.constant 32 : i32
      %mul3A_50 = arith.muli %add3A_48, %mul3A_49 : i32
      %get3A_51 = arith.index_cast %add3A_48 : i32 to index
      %get3A_52 = arith.constant 0 : index
      %get3A_53 = arith.constant 0 : index
      %get3A_54 = vector.load %arg6[%get3A_51, %get3A_52, %get3A_53] : memref<256x32x8xf32, #tpu.memory_space<vmem>>, vector<1x32x8xf32>
      %get3A_55 = vector.shape_cast %get3A_54 : vector<1x32x8xf32> to vector<32x8xf32>
      %get3A_56 = arith.index_cast %add3A_48 : i32 to index
      %get3A_57 = arith.constant 0 : index
      %get3A_58 = arith.constant 0 : index
      %get3A_59 = vector.load %arg7[%get3A_56, %get3A_57, %get3A_58] : memref<256x1x32xf32, #tpu.memory_space<vmem>>, vector<1x1x32xf32>
      %get3A_60 = vector.shape_cast %get3A_59 : vector<1x1x32xf32> to vector<1x32xf32>
      %get3A_61 = arith.index_cast %add3A_48 : i32 to index
      %get3A_62 = arith.constant 0 : index
      %get3A_63 = arith.constant 0 : index
      %get3A_64 = vector.load %arg8[%get3A_61, %get3A_62, %get3A_63] : memref<256x1x32xi32, #tpu.memory_space<vmem>>, vector<1x1x32xi32>
      %get3A_65 = vector.shape_cast %get3A_64 : vector<1x1x32xi32> to vector<1x32xi32>
      %get3A_66 = arith.index_cast %add3A_48 : i32 to index
      %get3A_67 = arith.constant 0 : index
      %get3A_68 = arith.constant 0 : index
      %get3A_69 = vector.load %arg5[%get3A_66, %get3A_67, %get3A_68] : memref<256x32x128xf32, #tpu.memory_space<vmem>>, vector<1x32x128xf32>
      %get3A_70 = vector.shape_cast %get3A_69 : vector<1x32x128xf32> to vector<32x128xf32>
      %iota3A_71 = tpu.iota {dimensions = array<i32: 1>} : vector<1x32xi32>
      %add3A_72 = vector.broadcast %mul3A_50 : i32 to vector<1x32xi32>
      %add3A_73 = arith.addi %add3A_72, %iota3A_71 : vector<1x32xi32>
      %dot_general3A_74 = arith.constant dense<0.000000e+00> : vector<32x32xf32>
      %dot_general3A_75 = tpu.matmul %get3A_8, %get3A_55, %dot_general3A_74 {dimension_numbers = #tpu.dot_dimension_numbers<[1], [1], [0], [0], [0, 0, 1, 0], [], []>, transpose_lhs_hint = false} : vector<32x8xf32>, vector<32x8xf32>, vector<32x32xf32> -> vector<32x32xf32>
      %add3A_76 = vector.broadcast %get3A_11 : vector<32x1xf32> to vector<32x32xf32>
      %add3A_77 = vector.broadcast %get3A_60 : vector<1x32xf32> to vector<32x32xf32>
      %add3A_78 = arith.addf %add3A_76, %add3A_77 : vector<32x32xf32>
      %mul3A_79 = arith.constant 2.000000e+00 : f32
      %mul3A_80 = vector.broadcast %mul3A_79 : f32 to vector<32x32xf32>
      %mul3A_81 = arith.mulf %mul3A_80, %dot_general3A_75 : vector<32x32xf32>
      %sub3A = arith.subf %add3A_78, %mul3A_81 : vector<32x32xf32>
      %lt3A_82 = arith.constant 1.000000e+02 : f32
      %lt3A_83 = vector.broadcast %lt3A_82 : f32 to vector<32x32xf32>
      %lt3A_84 = arith.cmpf olt, %sub3A, %lt3A_83 : vector<32x32xf32>
      %eq3A = vector.broadcast %get3A_14 : vector<32x1xi32> to vector<32x32xi32>
      %eq3A_85 = vector.broadcast %get3A_65 : vector<1x32xi32> to vector<32x32xi32>
      %eq3A_86 = arith.cmpi eq, %eq3A, %eq3A_85 : vector<32x32xi32>
      %and3A = arith.andi %lt3A_84, %eq3A_86 : vector<32x32xi1>
      %ne3A = vector.broadcast %add3A_15 : vector<32x1xi32> to vector<32x32xi32>
      %ne3A_87 = vector.broadcast %add3A_73 : vector<1x32xi32> to vector<32x32xi32>
      %ne3A_88 = arith.cmpi ne, %ne3A, %ne3A_87 : vector<32x32xi32>
      %and3A_89 = arith.andi %and3A, %ne3A_88 : vector<32x32xi1>
      %max3A = arith.constant 0.000000e+00 : f32
      %max3A_90 = vector.broadcast %max3A : f32 to vector<32x32xf32>
      %max3A_91 = arith.maximumf %sub3A, %max3A_90 : vector<32x32xf32>
      %add3A_92 = arith.constant 9.99999996E-13 : f32
      %add3A_93 = vector.broadcast %add3A_92 : f32 to vector<32x32xf32>
      %add3A_94 = arith.addf %max3A_91, %add3A_93 : vector<32x32xf32>
      %sqrt3A = math.sqrt %add3A_94 : vector<32x32xf32>
      %mul3A_95 = arith.constant 0.314159274 : f32
      %mul3A_96 = vector.broadcast %mul3A_95 : f32 to vector<32x32xf32>
      %mul3A_97 = arith.mulf %sqrt3A, %mul3A_96 : vector<32x32xf32>
      %cos3A = math.cos %mul3A_97 : vector<32x32xf32>
      %add3A_98 = arith.constant 1.000000e+00 : f32
      %add3A_99 = vector.broadcast %add3A_98 : f32 to vector<32x32xf32>
      %add3A_100 = arith.addf %cos3A, %add3A_99 : vector<32x32xf32>
      %mul3A_101 = arith.constant 5.000000e-01 : f32
      %mul3A_102 = vector.broadcast %mul3A_101 : f32 to vector<32x32xf32>
      %mul3A_103 = arith.mulf %mul3A_102, %add3A_100 : vector<32x32xf32>
      %jit3A = arith.constant 0.000000e+00 : f32
      %broadcast_in_dim3A_104 = vector.broadcast %jit3A : f32 to vector<32x32xf32>
      %select_n3A = arith.select %and3A_89, %mul3A_103, %broadcast_in_dim3A_104 : vector<32x32xi1>, vector<32x32xf32>
      %get3A_105 = arith.constant 0 : index
      %get3A_106 = arith.constant 0 : index
      %get3A_107 = vector.load %arg18[%get3A_105, %get3A_106] : memref<32x1024xf32, #tpu.memory_space<vmem>>, vector<32x1024xf32>
      %dot_general3A_108 = arith.constant dense<0.000000e+00> : vector<32x1024xf32>
      %dot_general3A_109 = tpu.matmul %select_n3A, %get3A_107, %dot_general3A_108 {dimension_numbers = #tpu.dot_dimension_numbers<[1], [0], [0], [1], [0, 0, 1, 1], [], []>, transpose_lhs_hint = false} : vector<32x32xf32>, vector<32x1024xf32>, vector<32x1024xf32> -> vector<32x1024xf32>
      %mul3A_110 = arith.mulf %get3A_21, %dot_general3A_109 : vector<32x1024xf32>
      %dot_general3A_111 = arith.constant dense<0.000000e+00> : vector<1024x8xf32>
      %dot_general3A_112 = tpu.matmul %get3A_24, %get3A_55, %dot_general3A_111 {dimension_numbers = #tpu.dot_dimension_numbers<[1], [0], [0], [1], [0, 0, 1, 1], [], []>, transpose_lhs_hint = false} : vector<1024x32xf32>, vector<32x8xf32>, vector<1024x8xf32> -> vector<1024x8xf32>
      %sub3A_113 = arith.subf %dot_general3A_28, %dot_general3A_112 : vector<1024x8xf32>
      %mul3A_114 = arith.mulf %sub3A_113, %sub3A_113 : vector<1024x8xf32>
      %mul3A_115 = vector.broadcast %convert_element_type3A_32 : vector<1x8xf32> to vector<1024x8xf32>
      %mul3A_116 = arith.mulf %mul3A_114, %mul3A_115 : vector<1024x8xf32>
      %reduce_sum3A = arith.constant dense<0.000000e+00> : vector<1024xf32>
      %reduce_sum3A_117 = vector.multi_reduction <add>, %mul3A_116, %reduce_sum3A [1] : vector<1024x8xf32> to vector<1024xf32>
      %broadcast_in_dim3A_118 = vector.shape_cast %reduce_sum3A_117 : vector<1024xf32> to vector<1024x1xf32>
      %add3A_119 = arith.constant 9.99999996E-13 : f32
      %add3A_120 = vector.broadcast %add3A_119 : f32 to vector<1024x1xf32>
      %add3A_121 = arith.addf %broadcast_in_dim3A_118, %add3A_120 : vector<1024x1xf32>
      %sqrt3A_122 = math.sqrt %add3A_121 : vector<1024x1xf32>
      %get3A_123 = arith.constant 0 : index
      %get3A_124 = arith.constant 0 : index
      %get3A_125 = vector.load %arg9[%get3A_123, %get3A_124] : memref<1x64xf32, #tpu.memory_space<vmem>>, vector<1x64xf32>
      %sub3A_126 = vector.broadcast %sqrt3A_122 : vector<1024x1xf32> to vector<1024x64xf32>
      %sub3A_127 = vector.broadcast %get3A_125 : vector<1x64xf32> to vector<1024x64xf32>
      %sub3A_128 = arith.subf %sub3A_126, %sub3A_127 : vector<1024x64xf32>
      %integer_pow3A = arith.mulf %sub3A_128, %sub3A_128 : vector<1024x64xf32>
      %mul3A_129 = vector.broadcast %get3A_18 : f32 to vector<1024x64xf32>
      %mul3A_130 = arith.mulf %mul3A_129, %integer_pow3A : vector<1024x64xf32>
      %exp3A = math.exp %mul3A_130 : vector<1024x64xf32>
      %get3A_131 = arith.constant 0 : index
      %get3A_132 = arith.constant 0 : index
      %get3A_133 = vector.load %arg11[%get3A_131, %get3A_132] : memref<64x128xf32, #tpu.memory_space<vmem>>, vector<64x128xf32>
      %dot_general3A_134 = arith.constant dense<0.000000e+00> : vector<1024x128xf32>
      %dot_general3A_135 = tpu.matmul %exp3A, %get3A_133, %dot_general3A_134 {dimension_numbers = #tpu.dot_dimension_numbers<[1], [0], [0], [1], [0, 0, 1, 1], [], []>, transpose_lhs_hint = false} : vector<1024x64xf32>, vector<64x128xf32>, vector<1024x128xf32> -> vector<1024x128xf32>
      %get3A_136 = arith.constant 0 : index
      %get3A_137 = arith.constant 0 : index
      %get3A_138 = vector.load %arg12[%get3A_136, %get3A_137] : memref<1x128xf32, #tpu.memory_space<vmem>>, vector<1x128xf32>
      %add3A_139 = vector.broadcast %get3A_138 : vector<1x128xf32> to vector<1024x128xf32>
      %add3A_140 = arith.addf %dot_general3A_135, %add3A_139 : vector<1024x128xf32>
      %max3A_141 = arith.constant 0.000000e+00 : f32
      %max3A_142 = vector.broadcast %max3A_141 : f32 to vector<1024x128xf32>
      %max3A_143 = arith.maximumf %add3A_140, %max3A_142 : vector<1024x128xf32>
      %abs3A = math.absf %add3A_140 : vector<1024x128xf32>
      %neg3A = arith.constant 0.000000e+00 : f32
      %neg3A_144 = vector.broadcast %neg3A : f32 to vector<1024x128xf32>
      %neg3A_145 = arith.subf %neg3A_144, %abs3A : vector<1024x128xf32>
      %exp3A_146 = math.exp %neg3A_145 : vector<1024x128xf32>
      %log1p3A = math.log1p %exp3A_146 : vector<1024x128xf32>
      %add3A_147 = arith.addf %max3A_143, %log1p3A : vector<1024x128xf32>
      %sub3A_148 = arith.constant 0.693147182 : f32
      %sub3A_149 = vector.broadcast %sub3A_148 : f32 to vector<1024x128xf32>
      %sub3A_150 = arith.subf %add3A_147, %sub3A_149 : vector<1024x128xf32>
      %get3A_151 = arith.constant 0 : index
      %get3A_152 = arith.constant 0 : index
      %get3A_153 = vector.load %arg13[%get3A_151, %get3A_152] : memref<128x128xf32, #tpu.memory_space<vmem>>, vector<128x128xf32>
      %dot_general3A_154 = arith.constant dense<0.000000e+00> : vector<1024x128xf32>
      %dot_general3A_155 = tpu.matmul %sub3A_150, %get3A_153, %dot_general3A_154 {dimension_numbers = #tpu.dot_dimension_numbers<[1], [0], [0], [1], [0, 0, 1, 1], [], []>, transpose_lhs_hint = false} : vector<1024x128xf32>, vector<128x128xf32>, vector<1024x128xf32> -> vector<1024x128xf32>
      %get3A_156 = arith.constant 0 : index
      %get3A_157 = arith.constant 0 : index
      %get3A_158 = vector.load %arg14[%get3A_156, %get3A_157] : memref<1x128xf32, #tpu.memory_space<vmem>>, vector<1x128xf32>
      %add3A_159 = vector.broadcast %get3A_158 : vector<1x128xf32> to vector<1024x128xf32>
      %add3A_160 = arith.addf %dot_general3A_155, %add3A_159 : vector<1024x128xf32>
      %dot_general3A_161 = arith.constant dense<0.000000e+00> : vector<1024x128xf32>
      %dot_general3A_162 = tpu.matmul %get3A_24, %get3A_70, %dot_general3A_161 {dimension_numbers = #tpu.dot_dimension_numbers<[1], [0], [0], [1], [0, 0, 1, 1], [], []>, transpose_lhs_hint = false} : vector<1024x32xf32>, vector<32x128xf32>, vector<1024x128xf32> -> vector<1024x128xf32>
      %mul3A_163 = arith.mulf %add3A_160, %dot_general3A_162 : vector<1024x128xf32>
      %dot_general3A_164 = arith.constant dense<0.000000e+00> : vector<32x128xf32>
      %dot_general3A_165 = tpu.matmul %mul3A_110, %mul3A_163, %dot_general3A_164 {dimension_numbers = #tpu.dot_dimension_numbers<[1], [0], [0], [1], [0, 0, 1, 1], [], []>, transpose_lhs_hint = false} : vector<32x1024xf32>, vector<1024x128xf32>, vector<32x128xf32> -> vector<32x128xf32>
      %add3A_166 = arith.addf %while3A_47, %dot_general3A_165 : vector<32x128xf32>
      scf.yield %add3A_166 : vector<32x128xf32>
    }
    %swap3A = arith.constant 0 : index
    %swap3A_44 = arith.constant 0 : index
    %swap3A_45 = vector.load %arg19[%swap3A, %swap3A_44] : memref<32x128xf32, #tpu.memory_space<vmem>>, vector<32x128xf32>
    tpu.vector_store %arg19[%swap3A, %swap3A_44], %while3A_43 {strides = array<i32>} : memref<32x128xf32, #tpu.memory_space<vmem>>, vector<32x128xf32>,
    return
  }
  func.func @transform_0(%arg0: i32) -> (i32, i32) {
    %c0_i32 = arith.constant 0 : i32
    %c0_i32_0 = arith.constant 0 : i32
    %c0_i32_1 = arith.constant 0 : i32
    return %c0_i32, %c0_i32_0 : i32, i32
  }
  func.func @transform_1(%arg0: i32) -> (i32, i32) {
    %c0_i32 = arith.constant 0 : i32
    %c0_i32_0 = arith.constant 0 : i32
    return %arg0, %c0_i32 : i32, i32
  }
  func.func @transform_2(%arg0: i32) -> (i32, i32) {
    %c0_i32 = arith.constant 0 : i32
    %c0_i32_0 = arith.constant 0 : i32
    return %arg0, %c0_i32 : i32, i32
  }
  func.func @transform_3(%arg0: i32) -> (i32, i32) {
    %c0_i32 = arith.constant 0 : i32
    %c0_i32_0 = arith.constant 0 : i32
    return %arg0, %c0_i32 : i32, i32
  }
  func.func @transform_4(%arg0: i32) -> (i32, i32, i32) {
    %c0_i32 = arith.constant 0 : i32
    %c0_i32_0 = arith.constant 0 : i32
    %c0_i32_1 = arith.constant 0 : i32
    %c0_i32_2 = arith.constant 0 : i32
    return %c0_i32, %c0_i32_0, %c0_i32_1 : i32, i32, i32
  }
  func.func @transform_5(%arg0: i32) -> (i32, i32, i32) {
    %c0_i32 = arith.constant 0 : i32
    %c0_i32_0 = arith.constant 0 : i32
    %c0_i32_1 = arith.constant 0 : i32
    %c0_i32_2 = arith.constant 0 : i32
    return %c0_i32, %c0_i32_0, %c0_i32_1 : i32, i32, i32
  }
  func.func @transform_6(%arg0: i32) -> (i32, i32, i32) {
    %c0_i32 = arith.constant 0 : i32
    %c0_i32_0 = arith.constant 0 : i32
    %c0_i32_1 = arith.constant 0 : i32
    %c0_i32_2 = arith.constant 0 : i32
    return %c0_i32, %c0_i32_0, %c0_i32_1 : i32, i32, i32
  }
  func.func @transform_7(%arg0: i32) -> (i32, i32, i32) {
    %c0_i32 = arith.constant 0 : i32
    %c0_i32_0 = arith.constant 0 : i32
    %c0_i32_1 = arith.constant 0 : i32
    %c0_i32_2 = arith.constant 0 : i32
    return %c0_i32, %c0_i32_0, %c0_i32_1 : i32, i32, i32
  }
  func.func @transform_8(%arg0: i32) -> (i32, i32) {
    %c0_i32 = arith.constant 0 : i32
    %c0_i32_0 = arith.constant 0 : i32
    %c0_i32_1 = arith.constant 0 : i32
    return %c0_i32, %c0_i32_0 : i32, i32
  }
  func.func @transform_9(%arg0: i32) -> (i32, i32) {
    %c0_i32 = arith.constant 0 : i32
    %c0_i32_0 = arith.constant 0 : i32
    %c0_i32_1 = arith.constant 0 : i32
    return %c0_i32, %c0_i32_0 : i32, i32
  }
  func.func @transform_10(%arg0: i32) -> (i32, i32) {
    %c0_i32 = arith.constant 0 : i32
    %c0_i32_0 = arith.constant 0 : i32
    %c0_i32_1 = arith.constant 0 : i32
    return %c0_i32, %c0_i32_0 : i32, i32
  }
  func.func @transform_11(%arg0: i32) -> (i32, i32) {
    %c0_i32 = arith.constant 0 : i32
    %c0_i32_0 = arith.constant 0 : i32
    %c0_i32_1 = arith.constant 0 : i32
    return %c0_i32, %c0_i32_0 : i32, i32
  }
  func.func @transform_12(%arg0: i32) -> (i32, i32) {
    %c0_i32 = arith.constant 0 : i32
    %c0_i32_0 = arith.constant 0 : i32
    %c0_i32_1 = arith.constant 0 : i32
    return %c0_i32, %c0_i32_0 : i32, i32
  }
  func.func @transform_13(%arg0: i32) -> (i32, i32) {
    %c0_i32 = arith.constant 0 : i32
    %c0_i32_0 = arith.constant 0 : i32
    %c0_i32_1 = arith.constant 0 : i32
    return %c0_i32, %c0_i32_0 : i32, i32
  }
  func.func @transform_14(%arg0: i32) -> (i32, i32) {
    %c0_i32 = arith.constant 0 : i32
    %c0_i32_0 = arith.constant 0 : i32
    %c0_i32_1 = arith.constant 0 : i32
    return %c0_i32, %c0_i32_0 : i32, i32
  }
  func.func @transform_15(%arg0: i32) -> (i32, i32) {
    %c0_i32 = arith.constant 0 : i32
    %c0_i32_0 = arith.constant 0 : i32
    %c0_i32_1 = arith.constant 0 : i32
    return %c0_i32, %c0_i32_0 : i32, i32
  }
  func.func @transform_16(%arg0: i32) -> (i32, i32) {
    %c0_i32 = arith.constant 0 : i32
    %c0_i32_0 = arith.constant 0 : i32
    %c0_i32_1 = arith.constant 0 : i32
    return %c0_i32, %c0_i32_0 : i32, i32
  }
  func.func @transform_17(%arg0: i32) -> (i32, i32) {
    %c0_i32 = arith.constant 0 : i32
    %c0_i32_0 = arith.constant 0 : i32
    %c0_i32_1 = arith.constant 0 : i32
    return %c0_i32, %c0_i32_0 : i32, i32
  }
  func.func @transform_18(%arg0: i32) -> (i32, i32) {
    %c0_i32 = arith.constant 0 : i32
    %c0_i32_0 = arith.constant 0 : i32
    return %arg0, %c0_i32 : i32, i32
  }
}

module attributes {stable_mosaic.version = 14 : i64} {
  func.func @_update_body(%arg0: i32, %arg1: memref<1024x128xf32, #tpu.memory_space<vmem>>, %arg2: memref<1024x128xf32, #tpu.memory_space<vmem>>, %arg3: memref<128x128xf32, #tpu.memory_space<vmem>>, %arg4: memref<1x128xf32, #tpu.memory_space<vmem>>, %arg5: memref<128x128xf32, #tpu.memory_space<vmem>>, %arg6: memref<1x128xf32, #tpu.memory_space<vmem>>, %arg7: memref<1024x128xf32, #tpu.memory_space<vmem>>) attributes {dimension_semantics = [#tpu.dimension_semantics<arbitrary>], iteration_bounds = array<i64: 8>, scalar_prefetch = 0 : i64, scratch_operands = 0 : i64, tpu.core_type = #tpu.core_type<tc>, window_params = [{transform_indices = @transform_0, window_bounds = array<i64: 1024, 128>}, {transform_indices = @transform_1, window_bounds = array<i64: 1024, 128>}, {pipeline_mode = #tpu.pipeline_mode<synchronous>, transform_indices = @transform_2, window_bounds = array<i64: 128, 128>}, {pipeline_mode = #tpu.pipeline_mode<synchronous>, transform_indices = @transform_3, window_bounds = array<i64: 1, 128>}, {pipeline_mode = #tpu.pipeline_mode<synchronous>, transform_indices = @transform_4, window_bounds = array<i64: 128, 128>}, {pipeline_mode = #tpu.pipeline_mode<synchronous>, transform_indices = @transform_5, window_bounds = array<i64: 1, 128>}, {transform_indices = @transform_6, window_bounds = array<i64: 1024, 128>}]} {
    %get3A = arith.constant 0 : index
    %get3A_0 = arith.constant 0 : index
    %get3A_1 = vector.load %arg2[%get3A, %get3A_0] : memref<1024x128xf32, #tpu.memory_space<vmem>>, vector<1024x128xf32>
    %get3A_2 = arith.constant 0 : index
    %get3A_3 = arith.constant 0 : index
    %get3A_4 = vector.load %arg3[%get3A_2, %get3A_3] : memref<128x128xf32, #tpu.memory_space<vmem>>, vector<128x128xf32>
    %dot_general3A = arith.constant dense<0.000000e+00> : vector<1024x128xf32>
    %dot_general3A_5 = tpu.matmul %get3A_1, %get3A_4, %dot_general3A {dimension_numbers = #tpu.dot_dimension_numbers<[1], [0], [0], [1], [0, 0, 1, 1], [], []>, transpose_lhs_hint = false} : vector<1024x128xf32>, vector<128x128xf32>, vector<1024x128xf32> -> vector<1024x128xf32>
    %get3A_6 = arith.constant 0 : index
    %get3A_7 = arith.constant 0 : index
    %get3A_8 = vector.load %arg4[%get3A_6, %get3A_7] : memref<1x128xf32, #tpu.memory_space<vmem>>, vector<1x128xf32>
    %add3A = vector.broadcast %get3A_8 : vector<1x128xf32> to vector<1024x128xf32>
    %add3A_9 = arith.addf %dot_general3A_5, %add3A : vector<1024x128xf32>
    %max3A = arith.constant 0.000000e+00 : f32
    %max3A_10 = vector.broadcast %max3A : f32 to vector<1024x128xf32>
    %max3A_11 = arith.maximumf %add3A_9, %max3A_10 : vector<1024x128xf32>
    %abs3A = math.absf %add3A_9 : vector<1024x128xf32>
    %neg3A = arith.constant 0.000000e+00 : f32
    %neg3A_12 = vector.broadcast %neg3A : f32 to vector<1024x128xf32>
    %neg3A_13 = arith.subf %neg3A_12, %abs3A : vector<1024x128xf32>
    %exp3A = math.exp %neg3A_13 : vector<1024x128xf32>
    %log1p3A = math.log1p %exp3A : vector<1024x128xf32>
    %add3A_14 = arith.addf %max3A_11, %log1p3A : vector<1024x128xf32>
    %sub3A = arith.constant 0.693147182 : f32
    %sub3A_15 = vector.broadcast %sub3A : f32 to vector<1024x128xf32>
    %sub3A_16 = arith.subf %add3A_14, %sub3A_15 : vector<1024x128xf32>
    %get3A_17 = arith.constant 0 : index
    %get3A_18 = arith.constant 0 : index
    %get3A_19 = vector.load %arg5[%get3A_17, %get3A_18] : memref<128x128xf32, #tpu.memory_space<vmem>>, vector<128x128xf32>
    %dot_general3A_20 = arith.constant dense<0.000000e+00> : vector<1024x128xf32>
    %dot_general3A_21 = tpu.matmul %sub3A_16, %get3A_19, %dot_general3A_20 {dimension_numbers = #tpu.dot_dimension_numbers<[1], [0], [0], [1], [0, 0, 1, 1], [], []>, transpose_lhs_hint = false} : vector<1024x128xf32>, vector<128x128xf32>, vector<1024x128xf32> -> vector<1024x128xf32>
    %get3A_22 = arith.constant 0 : index
    %get3A_23 = arith.constant 0 : index
    %get3A_24 = vector.load %arg6[%get3A_22, %get3A_23] : memref<1x128xf32, #tpu.memory_space<vmem>>, vector<1x128xf32>
    %add3A_25 = vector.broadcast %get3A_24 : vector<1x128xf32> to vector<1024x128xf32>
    %add3A_26 = arith.addf %dot_general3A_21, %add3A_25 : vector<1024x128xf32>
    %get3A_27 = arith.constant 0 : index
    %get3A_28 = arith.constant 0 : index
    %get3A_29 = vector.load %arg1[%get3A_27, %get3A_28] : memref<1024x128xf32, #tpu.memory_space<vmem>>, vector<1024x128xf32>
    %add3A_30 = arith.addf %get3A_29, %add3A_26 : vector<1024x128xf32>
    %swap3A = arith.constant 0 : index
    %swap3A_31 = arith.constant 0 : index
    %swap3A_32 = vector.load %arg7[%swap3A, %swap3A_31] : memref<1024x128xf32, #tpu.memory_space<vmem>>, vector<1024x128xf32>
    tpu.vector_store %arg7[%swap3A, %swap3A_31], %add3A_30 {strides = array<i32>} : memref<1024x128xf32, #tpu.memory_space<vmem>>, vector<1024x128xf32>,
    return
  }
  func.func @transform_0(%arg0: i32) -> (i32, i32) {
    %c0_i32 = arith.constant 0 : i32
    %c0_i32_0 = arith.constant 0 : i32
    return %arg0, %c0_i32 : i32, i32
  }
  func.func @transform_1(%arg0: i32) -> (i32, i32) {
    %c0_i32 = arith.constant 0 : i32
    %c0_i32_0 = arith.constant 0 : i32
    return %arg0, %c0_i32 : i32, i32
  }
  func.func @transform_2(%arg0: i32) -> (i32, i32) {
    %c0_i32 = arith.constant 0 : i32
    %c0_i32_0 = arith.constant 0 : i32
    %c0_i32_1 = arith.constant 0 : i32
    return %c0_i32, %c0_i32_0 : i32, i32
  }
  func.func @transform_3(%arg0: i32) -> (i32, i32) {
    %c0_i32 = arith.constant 0 : i32
    %c0_i32_0 = arith.constant 0 : i32
    %c0_i32_1 = arith.constant 0 : i32
    return %c0_i32, %c0_i32_0 : i32, i32
  }
  func.func @transform_4(%arg0: i32) -> (i32, i32) {
    %c0_i32 = arith.constant 0 : i32
    %c0_i32_0 = arith.constant 0 : i32
    %c0_i32_1 = arith.constant 0 : i32
    return %c0_i32, %c0_i32_0 : i32, i32
  }
  func.func @transform_5(%arg0: i32) -> (i32, i32) {
    %c0_i32 = arith.constant 0 : i32
    %c0_i32_0 = arith.constant 0 : i32
    %c0_i32_1 = arith.constant 0 : i32
    return %c0_i32, %c0_i32_0 : i32, i32
  }
  func.func @transform_6(%arg0: i32) -> (i32, i32) {
    %c0_i32 = arith.constant 0 : i32
    %c0_i32_0 = arith.constant 0 : i32
    return %arg0, %c0_i32 : i32, i32
  }
}

module attributes {stable_mosaic.version = 14 : i64} {
  func.func @_readout_body(%arg0: i32, %arg1: memref<32x128xf32, #tpu.memory_space<vmem>>, %arg2: memref<8192x1xi32, #tpu.memory_space<vmem>>, %arg3: memref<128x64xf32, #tpu.memory_space<vmem>>, %arg4: memref<1x64xf32, #tpu.memory_space<vmem>>, %arg5: memref<1x64xf32, #tpu.memory_space<vmem>>, %arg6: memref<1x1xf32, #tpu.memory_space<vmem>>, %arg7: memref<1x512xf32, #tpu.memory_space<vmem>>) attributes {dimension_semantics = [#tpu.dimension_semantics<arbitrary>], iteration_bounds = array<i64: 256>, scalar_prefetch = 0 : i64, scratch_operands = 0 : i64, tpu.core_type = #tpu.core_type<tc>, window_params = [{transform_indices = @transform_0, window_bounds = array<i64: 32, 128>}, {pipeline_mode = #tpu.pipeline_mode<synchronous>, transform_indices = @transform_1, window_bounds = array<i64: 8192, 1>}, {pipeline_mode = #tpu.pipeline_mode<synchronous>, transform_indices = @transform_2, window_bounds = array<i64: 128, 64>}, {pipeline_mode = #tpu.pipeline_mode<synchronous>, transform_indices = @transform_3, window_bounds = array<i64: 1, 64>}, {pipeline_mode = #tpu.pipeline_mode<synchronous>, transform_indices = @transform_4, window_bounds = array<i64: 1, 64>}, {pipeline_mode = #tpu.pipeline_mode<synchronous>, transform_indices = @transform_5, window_bounds = array<i64: 1, 1>}, {pipeline_mode = #tpu.pipeline_mode<synchronous>, transform_indices = @transform_6, window_bounds = array<i64: 1, 512>}]} {
    %mul3A = arith.constant 32 : i32
    %mul3A_0 = arith.muli %arg0, %mul3A : i32
    %get3A = arith.constant 0 : index
    %get3A_1 = arith.constant 0 : index
    %get3A_2 = vector.load %arg1[%get3A, %get3A_1] : memref<32x128xf32, #tpu.memory_space<vmem>>, vector<32x128xf32>
    %get3A_3 = arith.constant 0 : index
    %get3A_4 = arith.constant 0 : index
    %get3A_5 = vector.load %arg3[%get3A_3, %get3A_4] : memref<128x64xf32, #tpu.memory_space<vmem>>, vector<128x64xf32>
    %dot_general3A = arith.constant dense<0.000000e+00> : vector<32x64xf32>
    %dot_general3A_6 = tpu.matmul %get3A_2, %get3A_5, %dot_general3A {dimension_numbers = #tpu.dot_dimension_numbers<[1], [0], [0], [1], [0, 0, 1, 1], [], []>, transpose_lhs_hint = false} : vector<32x128xf32>, vector<128x64xf32>, vector<32x64xf32> -> vector<32x64xf32>
    %get3A_7 = arith.constant 0 : index
    %get3A_8 = arith.constant 0 : index
    %get3A_9 = vector.load %arg4[%get3A_7, %get3A_8] : memref<1x64xf32, #tpu.memory_space<vmem>>, vector<1x64xf32>
    %add3A = vector.broadcast %get3A_9 : vector<1x64xf32> to vector<32x64xf32>
    %add3A_10 = arith.addf %dot_general3A_6, %add3A : vector<32x64xf32>
    %max3A = arith.constant 0.000000e+00 : f32
    %max3A_11 = vector.broadcast %max3A : f32 to vector<32x64xf32>
    %max3A_12 = arith.maximumf %add3A_10, %max3A_11 : vector<32x64xf32>
    %abs3A = math.absf %add3A_10 : vector<32x64xf32>
    %neg3A = arith.constant 0.000000e+00 : f32
    %neg3A_13 = vector.broadcast %neg3A : f32 to vector<32x64xf32>
    %neg3A_14 = arith.subf %neg3A_13, %abs3A : vector<32x64xf32>
    %exp3A = math.exp %neg3A_14 : vector<32x64xf32>
    %log1p3A = math.log1p %exp3A : vector<32x64xf32>
    %add3A_15 = arith.addf %max3A_12, %log1p3A : vector<32x64xf32>
    %sub3A = arith.constant 0.693147182 : f32
    %sub3A_16 = vector.broadcast %sub3A : f32 to vector<32x64xf32>
    %sub3A_17 = arith.subf %add3A_15, %sub3A_16 : vector<32x64xf32>
    %get3A_18 = arith.constant 0 : index
    %get3A_19 = arith.constant 0 : index
    %get3A_20 = vector.load %arg5[%get3A_18, %get3A_19] : memref<1x64xf32, #tpu.memory_space<vmem>>, vector<1x64xf32>
    %mul3A_21 = vector.broadcast %get3A_20 : vector<1x64xf32> to vector<32x64xf32>
    %mul3A_22 = arith.mulf %sub3A_17, %mul3A_21 : vector<32x64xf32>
    %reduce_sum3A = arith.constant dense<0.000000e+00> : vector<32xf32>
    %reduce_sum3A_23 = vector.multi_reduction <add>, %mul3A_22, %reduce_sum3A [1] : vector<32x64xf32> to vector<32xf32>
    %broadcast_in_dim3A = vector.shape_cast %reduce_sum3A_23 : vector<32xf32> to vector<32x1xf32>
    %get3A_24 = arith.constant 0 : index
    %get3A_25 = arith.constant 0 : index
    %get3A_26 = vector.load %arg6[%get3A_24, %get3A_25] : memref<1x1xf32, #tpu.memory_space<vmem>>, vector<1x1xf32>
    %get3A_27 = vector.extract %get3A_26[0, 0] : f32 from vector<1x1xf32>
    %add3A_28 = vector.broadcast %get3A_27 : f32 to vector<32x1xf32>
    %add3A_29 = arith.addf %broadcast_in_dim3A, %add3A_28 : vector<32x1xf32>
    %get3A_30 = arith.index_cast %mul3A_0 : i32 to index
    %get3A_31 = arith.constant 0 : index
    %get3A_32 = vector.load %arg2[%get3A_30, %get3A_31] : memref<8192x1xi32, #tpu.memory_space<vmem>>, vector<32x1xi32>
    %iota3A = tpu.iota {dimensions = array<i32: 1>} : vector<32x512xi32>
    %eq3A = vector.broadcast %get3A_32 : vector<32x1xi32> to vector<32x512xi32>
    %eq3A_33 = arith.cmpi eq, %eq3A, %iota3A : vector<32x512xi32>
    %convert_element_type3A = arith.extui %eq3A_33 : vector<32x512xi1> to vector<32x512xi32>
    %convert_element_type3A_34 = arith.sitofp %convert_element_type3A : vector<32x512xi32> to vector<32x512xf32>
    %dot_general3A_35 = arith.constant dense<0.000000e+00> : vector<1x512xf32>
    %dot_general3A_36 = tpu.matmul %add3A_29, %convert_element_type3A_34, %dot_general3A_35 {dimension_numbers = #tpu.dot_dimension_numbers<[0], [0], [1], [1], [0, 1, 1, 1], [], []>, transpose_lhs_hint = false} : vector<32x1xf32>, vector<32x512xf32>, vector<1x512xf32> -> vector<1x512xf32>
    %eq3A_37 = arith.constant 0 : i32
    %eq3A_38 = arith.cmpi eq, %arg0, %eq3A_37 : i32
    %convert_element_type3A_39 = arith.extui %eq3A_38 : i1 to i32
    %cond3A = arith.constant 0 : i32
    %cond3A_40 = arith.cmpi ne, %convert_element_type3A_39, %cond3A : i32
    scf.if %cond3A_40 {
      %broadcast_in_dim3A_47 = arith.constant 0.000000e+00 : f32
      %broadcast_in_dim3A_48 = vector.broadcast %broadcast_in_dim3A_47 : f32 to vector<1x512xf32>
      %swap3A_49 = arith.constant 0 : index
      %swap3A_50 = arith.constant 0 : index
      %swap3A_51 = vector.load %arg7[%swap3A_49, %swap3A_50] : memref<1x512xf32, #tpu.memory_space<vmem>>, vector<1x512xf32>
      tpu.vector_store %arg7[%swap3A_49, %swap3A_50], %broadcast_in_dim3A_48 {strides = array<i32>} : memref<1x512xf32, #tpu.memory_space<vmem>>, vector<1x512xf32>,
    } else {
    }
    %get3A_41 = arith.constant 0 : index
    %get3A_42 = arith.constant 0 : index
    %get3A_43 = vector.load %arg7[%get3A_41, %get3A_42] : memref<1x512xf32, #tpu.memory_space<vmem>>, vector<1x512xf32>
    %add3A_44 = arith.addf %get3A_43, %dot_general3A_36 : vector<1x512xf32>
    %swap3A = arith.constant 0 : index
    %swap3A_45 = arith.constant 0 : index
    %swap3A_46 = vector.load %arg7[%swap3A, %swap3A_45] : memref<1x512xf32, #tpu.memory_space<vmem>>, vector<1x512xf32>
    tpu.vector_store %arg7[%swap3A, %swap3A_45], %add3A_44 {strides = array<i32>} : memref<1x512xf32, #tpu.memory_space<vmem>>, vector<1x512xf32>,
    return
  }
  func.func @transform_0(%arg0: i32) -> (i32, i32) {
    %c0_i32 = arith.constant 0 : i32
    %c0_i32_0 = arith.constant 0 : i32
    return %arg0, %c0_i32 : i32, i32
  }
  func.func @transform_1(%arg0: i32) -> (i32, i32) {
    %c0_i32 = arith.constant 0 : i32
    %c0_i32_0 = arith.constant 0 : i32
    %c0_i32_1 = arith.constant 0 : i32
    return %c0_i32, %c0_i32_0 : i32, i32
  }
  func.func @transform_2(%arg0: i32) -> (i32, i32) {
    %c0_i32 = arith.constant 0 : i32
    %c0_i32_0 = arith.constant 0 : i32
    %c0_i32_1 = arith.constant 0 : i32
    return %c0_i32, %c0_i32_0 : i32, i32
  }
  func.func @transform_3(%arg0: i32) -> (i32, i32) {
    %c0_i32 = arith.constant 0 : i32
    %c0_i32_0 = arith.constant 0 : i32
    %c0_i32_1 = arith.constant 0 : i32
    return %c0_i32, %c0_i32_0 : i32, i32
  }
  func.func @transform_4(%arg0: i32) -> (i32, i32) {
    %c0_i32 = arith.constant 0 : i32
    %c0_i32_0 = arith.constant 0 : i32
    %c0_i32_1 = arith.constant 0 : i32
    return %c0_i32, %c0_i32_0 : i32, i32
  }
  func.func @transform_5(%arg0: i32) -> (i32, i32) {
    %c0_i32 = arith.constant 0 : i32
    %c0_i32_0 = arith.constant 0 : i32
    %c0_i32_1 = arith.constant 0 : i32
    return %c0_i32, %c0_i32_0 : i32, i32
  }
  func.func @transform_6(%arg0: i32) -> (i32, i32) {
    %c0_i32 = arith.constant 0 : i32
    %c0_i32_0 = arith.constant 0 : i32
    %c0_i32_1 = arith.constant 0 : i32
    return %c0_i32, %c0_i32_0 : i32, i32
  }
}

</mosaic_0001>

<sc_bundles>
// kernel: kernel.13.cloned.1.call-start
scs
__scs_entry_jumppad:
0x0: {  	(pc) =	sbr.rel $0x88, $3  }
0x1: {  	(tag) =	ssettag $0x0;
	lr =	simm.s32 $0x1  }
0x2: {  	[smem:$0x3F90] =	sst lr;
	_ =	strace $0xD0000000  }
0x3: {  	_ = 	snop  }
0x4: {  	_ = 	snop  }
0x5: {  	_ = 	snop  }
0x6: {  	_ = 	snop  }
0x7: {  	_ = 	snop  }
__scs_overlays_trampoline_lowered:
0x8: {  	[smem:$0x3F9F] =	sst s0  }
0x9: {  	[smem:$0x3FA0] =	sst s1  }
0xa: {  	[smem:$0x3FA1] =	sst s2  }
0xb: {  	[smem:$0x3FA2] =	sst s3  }
0xc: {  	[smem:$0x3FA3] =	sst s4  }
0xd: {  	[smem:$0x3FA4] =	sst s5  }
0xe: {  	[smem:$0x3FA5] =	sst s6  }
0xf: {  	[smem:$0x3FA6] =	sst s7  }
0x10: {  	[smem:$0x3FA7] =	sst s8  }
0x11: {  	[smem:$0x3FA8] =	sst s9;
	s0 =	simm.s32 @!p0 $0x0  }
0x12: {  	s1 =	sld [smem:$0x3F8E];
	s0 =	simm.s32 @p0 $0x1  }
0x13: {  	[smem:$0x3FA9] =	sst s0;
	s0 =	simm.s32 @!p1 $0x0  }
0x14: {  	s2 =	sld [smem:$0x3F8D];
	s0 =	simm.s32 @p1 $0x1  }
0x15: {  	[smem:$0x3FAA] =	sst s0;
	s0 =	simm.s32 @!p2 $0x0  }
0x16: {  	s3 =	sld [smem:$0x3FDB];
	s0 =	simm.s32 @p2 $0x1  }
0x17: {  	s4 =	simm.s32 $0x1BF5;
	[smem:$0x3FAC] =	sst s0  }
0x18: {  	s0 =	sld [smem:$0x3F8F];
	_ =	swait.ge [sflag:s4], $0x0  }
0x19: {  	s7 =	sld [smem:$0x3F90]  }
0x1a: {  	s8 =	sadd.s32 $0xFFFFE003, lr  }
0x1b: {  	s9 =	sadd.s32 $0xFFFFFEF7, lr;
	s5 =	simm.s32 $0xFFFFFFFF;
	p2 =	slt.u32 s8, $0xFFFFF086  }
0x1c: {  	p1 =	slt.u32 s9, $0xF7A;
	s5 =	simm.s32 @!p2 $0x0  }
0x1d: {  	s5 =	simm.s32 @p1 $0x1;
	p0 =	seq.s32 s7, s2  }
0x1e: {  	s7 =	smul.u32 @!p0 $0xF7A, s2;
	p2 =	seq.s32 @!p0 s5, $0x0  }
0x1f: {  	s9 =	smul.u32 $0xF7A, s1;
	s8 =	simm.s32 @!p0 $0x1BF5;
	p2 =	por !p2, p0  }
0x20: {  	[sflag:s8] =	ssyncset.s32 @!p0 $0xFFFFF086;
	s6 =	sadd.s32 @!p0 s3, s7;
	s7 =	simm.s32 @!p0 $0x108  }
0x21: {  	s3 =	sadd.s32 s3, s9;
	s6 =	sadd.s32 @!p0 $0x88, s6;
	s7 =	simm.s32 @p2 $0x1082  }
0x22: {  	[simem:s7], [sflag:s8] =	dma.local @!p0 [hbm:s6], $0xF7A  }
0x23: {  	s9 =	sor.u32 $0xD0000000, s2;
	s6 =	simm.s32 $0x108;
	_ =	swait.ge @!p0 [sflag:s8], $0x0  }
0x24: {  	s3 =	sadd.s32 $0x88, s3;
	s6 =	simm.s32 @!p1 $0x1082;
	[sflag:s4] =	ssyncset.s32 $0xFFFFF086  }
0x25: {  	[simem:s6], [sflag:s4] =	dma.local [hbm:s3], $0xF7A  }
0x26: {  	[smem:$0x3F90] =	sst s1;
	(tag) =	ssettag s2;
	_ =	strace s9  }
0x27: {  	s1 =	sld [smem:$0x3FA0]  }
0x28: {  	s2 =	sld [smem:$0x3FA1]  }
0x29: {  	s4 =	sld [smem:$0x3FA3]  }
0x2a: {  	p0 =	seq.s32 s5, $0x0;
	s5 =	sld [smem:$0x3FA4]  }
0x2b: {  	s6 =	sld [smem:$0x3FA5]  }
0x2c: {  	s7 =	sld [smem:$0x3FA6]  }
0x2d: {  	s3 =	simm.s32 $0x108;
	s8 =	sld [smem:$0x3FA7]  }
0x2e: {  	s3 =	simm.s32 @!p0 $0x1082;
	s9 =	sld [smem:$0x3FA8]  }
0x2f: {  	lr =	sadd.s32 s0, s3;
	s0 =	sld [smem:$0x3F9F]  }
0x30: {  	s3 =	sld [smem:$0x3FA2]  }
0x31: {  	[smem:$0x3FAB] =	sst s10  }
0x32: {  	s10 =	sld [smem:$0x3FA9];
	_ =	sdelay $0x3  }
0x33: {  	p0 =	seq.s32 s10, $0x1;
	s10 =	sld [smem:$0x3FAB];
	_ =	sdelay $0x3  }
0x34: {  	[smem:$0x3FAB] =	sst s10  }
0x35: {  	s10 =	sld [smem:$0x3FAA];
	_ =	sdelay $0x3  }
0x36: {  	p1 =	seq.s32 s10, $0x1;
	s10 =	sld [smem:$0x3FAB];
	_ =	sdelay $0x3  }
0x37: {  	[smem:$0x3FAB] =	sst s10  }
0x38: {  	s10 =	sld [smem:$0x3FAC]  }
0x39: {  	_ = 	snop;
	(pc) =	sbr.ind lr, $3  }
0x3a: {  	_ = 	snop  }
0x3b: {  	_ = 	snop  }
0x3c: {  	p2 =	seq.s32 s10, $0x1;
	s10 =	sld [smem:$0x3FAB]  }
0x3d: {  	_ =	shalt  }
0x3e: {  	_ =	shalt  }
0x3f: {  	_ =	shalt  }
0x40: {  	_ =	shalt  }
0x41: {  	_ =	shalt  }
0x42: {  	_ =	shalt  }
0x43: {  	_ =	shalt  }
0x44: {  	_ =	shalt  }
0x45: {  	_ =	shalt  }
0x46: {  	_ =	shalt  }
0x47: {  	_ =	shalt  }
0x48: {  	_ =	shalt  }
0x49: {  	_ =	shalt  }
0x4a: {  	_ =	shalt  }
0x4b: {  	_ =	shalt  }
0x4c: {  	_ =	shalt  }
0x4d: {  	_ =	shalt  }
0x4e: {  	_ =	shalt  }
0x4f: {  	_ =	shalt  }
0x50: {  	_ =	shalt  }
0x51: {  	_ =	shalt  }
0x52: {  	_ =	shalt  }
0x53: {  	_ =	shalt  }
0x54: {  	_ =	shalt  }
0x55: {  	_ =	shalt  }
0x56: {  	_ =	shalt  }
0x57: {  	_ =	shalt  }
0x58: {  	_ =	shalt  }
0x59: {  	_ =	shalt  }
0x5a: {  	_ =	shalt  }
0x5b: {  	_ =	shalt  }
0x5c: {  	_ =	shalt  }
0x5d: {  	_ =	shalt  }
0x5e: {  	_ =	shalt  }
0x5f: {  	_ =	shalt  }
0x60: {  	_ =	shalt  }
0x61: {  	_ =	shalt  }
0x62: {  	_ =	shalt  }
0x63: {  	_ =	shalt  }
0x64: {  	_ =	shalt  }
0x65: {  	_ =	shalt  }
0x66: {  	_ =	shalt  }
0x67: {  	_ =	shalt  }
0x68: {  	_ =	shalt  }
0x69: {  	_ =	shalt  }
0x6a: {  	_ =	shalt  }
0x6b: {  	_ =	shalt  }
0x6c: {  	_ =	shalt  }
0x6d: {  	_ =	shalt  }
0x6e: {  	_ =	shalt  }
0x6f: {  	_ =	shalt  }
0x70: {  	_ =	shalt  }
0x71: {  	_ =	shalt  }
0x72: {  	_ =	shalt  }
0x73: {  	_ =	shalt  }
0x74: {  	_ =	shalt  }
0x75: {  	_ =	shalt  }
0x76: {  	_ =	shalt  }
0x77: {  	_ =	shalt  }
0x78: {  	_ =	shalt  }
0x79: {  	_ =	shalt  }
0x7a: {  	_ =	shalt  }
0x7b: {  	_ =	shalt  }
0x7c: {  	_ =	shalt  }
0x7d: {  	_ =	shalt  }
0x7e: {  	_ =	shalt  }
0x7f: {  	_ =	shalt  }
0x80: {  	_ =	shalt  }
0x81: {  	_ =	shalt  }
0x82: {  	_ =	shalt  }
0x83: {  	_ =	shalt  }
0x84: {  	_ =	shalt  }
0x85: {  	_ =	shalt  }
0x86: {  	_ =	shalt  }
0x87: {  	_ =	shalt  }
.Lfunc_end0:
.L_simem_size_0:
called_computation_lowered:
.L_overlay_start_0:
0x88: {  	s2 =	sld [smem:$0x3FD9]  }
0x89: {  	s3 =	sld [smem:$0x3FFE];
	_ =	sdelay $0x1  }
0x8a: {  	s1 =	srdreg.scid  }
0x8b: {  	s0 =	sand.u32 $0x1, s1  }
0x8c: {  	s17 =	sshll.u32 s0, $0xA;
	s2 =	sadd.s32 s3, s2  }
0x8d: {  	s2 =	sadd.s32 s2, s17  }
0x8e: {  	[smem:$0x3FB7] =	sst s2  }
0x8f: {  	_ = 	snop  }
0x90: {  	s2 =	sld [smem:$0x3FC9]  }
0x91: {  	s18 =	sld [smem:$0x3FC6];
	(tm) =	ssettm $0x1  }
0x92: {  	s4 =	sld [smem:$0x3FFB];
	_ =	sdelay $0x3  }
0x93: {  	_ =	strace s4  }
0x94: {  	s4 =	sld [smem:$0x3FFC];
	_ =	sdelay $0x3  }
0x95: {  	_ =	strace s4  }
0x96: {  	s4 =	sld [smem:$0x3FFD];
	_ =	sdelay $0x3  }
0x97: {  	_ =	strace s4  }
0x98: {  	_ =	strace $0x8FFFFFFF  }
0x99: {  	s19 =	sld [smem:$0x3FDB];
	_ =	sdelay $0x1  }
0x9a: {  	s5 =	simm.s32 $_scs_section_size  }
0x9b: {  	s6 =	simm.s32 $_size__tile_overlayer_lowered;
	s7 =	simm.s32 $_tile_overlayer_lowered  }
0x9c: {  	s22 =	simm.s32 $0x1BFF;
	s21 =	sshll.u32 s7, $0x1;
	s4 =	sadd.s32 s5, s19  }
0x9d: {  	s8 =	simm.s32 $0x0;
	s20 =	sshll.u32 s6, $0x1;
	s6 =	sadd.s32 s21, s4  }
0x9e: {  	[timem:s8], [sflag:s22] =	dma.local [hbm:s6], s20  }
0x9f: {  	_ =	swait.ge [sflag:s22], s20  }
0xa0: {  	s5 =	ssub.s32 $0x0, s20;
	[sflag:s22] =	ssyncset.done $0x0  }
0xa1: {  	[sflag:s22] =	ssyncadd.s32 s5;
	_ =	sdelay $0x1  }
0xa2: {  	s23 =	simm.s32 $0x1B8B  }
0xa3: {  	_ =	swait.ge [sflag:s23], $0x1  }
0xa4: {  	[sflag:s23] =	ssyncset.done $0x0  }
0xa5: {  	s25 =	simm.s32 $0x1B8E;
	s24 =	sld [smem:$0x3FFE];
	[sflag:s23] =	ssyncadd.s32 $0xFFFFFFFF  }
0xa6: {  	s26 =	simm.s32 $execute0_lowered;
	[smem:$0x3FD2] =	sst s25  }
0xa7: {  	s6 =	sshll.u32 s26, $0x1;
	_ =	strace $0x80000046;
	[dreg:$0x1] =	wrdreg $0xFFFFFFFF  }
0xa8: {  	s28 =	simm.s32 $_size_execute0_lowered;
	s4 =	sadd.s32 s4, s6;
	[dreg:$0x0] =	wrdreg $0x0  }
0xa9: {  	s6 =	sshll.u32 s28, $0x1;
	[dreg:$0x2] =	wrdreg s4  }
0xaa: {  	[dreg:$0x3] =	wrdreg s6  }
0xab: {  	[dreg:$0x4] =	wrdreg $0xC0  }
0xac: {  	_ =	task [dreg:s8], $0x5FFFF  }
0xad: {  	[dreg:$0x1] =	wrdreg $0xFFFFFFFF  }
0xae: {  	[dreg:$0x0] =	wrdreg $0x60  }
0xaf: {  	[dreg:$0x2] =	wrdreg s2  }
0xb0: {  	[dreg:$0x3] =	wrdreg s18  }
0xb1: {  	[dreg:$0x4] =	wrdreg s24  }
0xb2: {  	[dreg:$0x5] =	wrdreg $0x9  }
0xb3: {  	_ =	task.clear_ibuf [dreg:s8], $0x6FFFF;
	_ =	strace $0x90000046  }
0xb4: {  	s29 =	simm.s32 $0x9;
	_ =	strace $0x80000048  }
0xb5: {  	_ =	swait.ge [sflag:s29], $0x1  }
0xb6: {  	[sflag:s29] =	ssyncadd.s32 $0xFFFFFFFF  }
0xb7: {  	_ =	strace $0x90000048  }
0xb8: {  	_ =	sfence  }
0xb9: {  	s30 =	sld [smem:$0x0];
	_ =	sdelay $0x2  }
0xba: {  	s31 =	sshll.u32 s1, $0xD;
	s1 =	sshrl.u32 s1, $0x2  }
0xbb: {  	s3 =	sand.u32 $0x4000, s31;
	s1 =	sadd.s32 s1, s30  }
0xbc: {  	s0 =	sor.u32 s3, s0;
	s1 =	sshll.u32 s1, $0x11  }
0xbd: {  	s0 =	sor.u32 s1, s0  }
0xbe: {  	s0 =	sadd.s32 $0x8F2B, s0  }
0xbf: {  	[sflag:s0] =	ssyncadd.remote.s32 $0x1  }
0xc0: {  	_ =	sfence.sel $0xFFFF  }
0xc1: {  	[dreg:$0x0] =	wrdreg $0xFFFFFFFF;
	(pc) =	sbr.abs _section_cstart, $3  }
0xc2: {  	[dreg:$0x1] =	wrdreg $0xFFFFFFFF  }
0xc3: {  	_ =	task.clear_ibuf [dreg:s8], $0x2FFFF;
	_ =	strace $0x9FFFFFFF  }
0xc4: {  	(tm) =	ssettm $0x7FFFFFFF  }
0xc5: {  	_ =	shalt  }
tec
execute0_lowered:
.L_overlay_start_1:
0x0: {  	(tag) =	ssettag $0x1  }
0x1: {  	s4 =	rddreg [dreg:$0x0]  }
0x2: {  	s2 =	rddreg [dreg:$0x1]  }
0x3: {  	s1 =	srdreg.scid;
	s0 =	stileid.u32  }
0x4: {  	s9 =	rddreg [dreg:$0x2];
	s10 =	sand.u32 $0x1, s1;
	s5 =	sshll.u32 s0, $0x1  }
0x5: {  	s3 =	simm.s32 $0x0;
	s1 =	rddreg [dreg:$0x3];
	s11 =	sor.u32 s10, s5  }
0x6: {  	[smem:$0x7FF] =	sst s3;
	s5 =	sshll.u32 s11, $0x5  }
0x7: {  	_ =	strace $0x80000047;
	s5 =	sadd.s32 s4, s5;
	s4 =	simm.s32 $0x2  }
0x8: {  	[tilespmem:s3], [sflag:$0x2] =	stream.linear.gather [hbm4b:s5+s3], $0x100, $0x38;
	[tilespmem:$0x4100] =	vst v63  }
0x9: {  	_ =	swait.ge [sflag:s4], $0x100  }
0xa: {  	s6 =	simm.s32 $0x80;
	[sflag:s4] =	ssyncset.done $0x0  }
0xb: {  	s7 =	simm.s32 $0x100;
	s8 =	simm.s32 $0x1;
	[sflag:s4] =	ssyncadd.s32 $0xFFFFFF00  }
0xc: {  	[tilespmem:s7], [sflag:$0x1] =	stream.indirect.gather [hbm4b:s2+s6], $0x80, s3, s6, $0xb8;
	[tilespmem:$0x4100] =	vst v63  }
0xd: {  	s11 =	sshll.u32 s11, $0xC;
	_ =	swait.ge [sflag:s8], $0x4000  }
0xe: {  	s11 =	sadd.s32 s11, s9;
	[sflag:s8] =	ssyncset.done $0x0  }
0xf: {  	s10 =	ssub.s32 $0x2, s10;
	s9 =	sadd.s32 $0x3600, s11;
	[sflag:s8] =	ssyncadd.s32 $0xFFFFC000  }
0x10: {  	[hbm4b:s9+s3] =	stream.linear.scatter [tilespmem:s7], [sflag:$0x2], $0x4000, $0x38;
	[tilespmem:$0x4100] =	vst v63  }
0x11: {  	s12 =	sshrl.u32 s10, $0x1;
	_ =	swait.ge [sflag:s4], $0x4000  }
0x12: {  	s12 =	ssub.s32 s10, s12;
	[sflag:s4] =	ssyncset.done $0x0  }
0x13: {  	s31 =	smax.u32 s12, $0x1;
	[sflag:s4] =	ssyncadd.s32 $0xFFFFC000  }
0x14: {  	[tilespmem:s7], [sflag:$0x1] =	stream.indirect.gather [hbm4b:s2+s6], $0x80, s6, s6, $0xb8;
	[tilespmem:$0x4100] =	vst v63  }
0x15: {  	p0 =	sne.s32 s31, $0x1;
	_ =	swait.ge [sflag:s8], $0x4000  }
.Ltmp0:
0x16: {  	[sflag:s8] =	ssyncset.done $0x0;
	(pc) =	sbr.rel @!p0 .LBB2_2-.Ltmp0, $4  }
0x17: {  	s10 =	sadd.s32 $0x3E00, s11;
	[sflag:s8] =	ssyncadd.s32 $0xFFFFC000  }
0x18: {  	[hbm4b:s10+s3] =	stream.linear.scatter [tilespmem:s7], [sflag:$0x2], $0x4000, $0x38;
	[tilespmem:$0x4100] =	vst v63  }
0x19: {  	_ =	swait.ge [sflag:s4], $0x4000  }
0x1a: {  	s11 =	sadd.s32 $0xFFFFFFFF, s31;
	[sflag:s4] =	ssyncset.done $0x0  }
.LBB2_1:
0x1b: {  	p0 =	sne.s32 s11, $0x1;
	s11 =	sadd.s32 $0xFFFFFFFF, s11;
	[sflag:s4] =	ssyncadd.s32 $0xFFFFC000  }
0x1c: {  	[tilespmem:s3], [sflag:$0x2] =	stream.linear.gather [hbm4b:s5+s3], $0x100, $0x38;
	[tilespmem:$0x4100] =	vst v63  }
0x1d: {  	_ =	swait.ge [sflag:s4], $0x100  }
0x1e: {  	[sflag:s4] =	ssyncset.done $0x0  }
0x1f: {  	[sflag:s4] =	ssyncadd.s32 $0xFFFFFF00  }
0x20: {  	[tilespmem:s7], [sflag:$0x1] =	stream.indirect.gather [hbm4b:s2+s6], $0x80, s3, s6, $0xb8;
	[tilespmem:$0x4100] =	vst v63  }
0x21: {  	_ =	swait.ge [sflag:s8], $0x4000  }
0x22: {  	[sflag:s8] =	ssyncset.done $0x0  }
0x23: {  	[sflag:s8] =	ssyncadd.s32 $0xFFFFC000  }
0x24: {  	[hbm4b:s9+s3] =	stream.linear.scatter [tilespmem:s7], [sflag:$0x2], $0x4000, $0x38;
	[tilespmem:$0x4100] =	vst v63  }
0x25: {  	_ =	swait.ge [sflag:s4], $0x4000  }
0x26: {  	[sflag:s4] =	ssyncset.done $0x0  }
0x27: {  	[sflag:s4] =	ssyncadd.s32 $0xFFFFC000  }
0x28: {  	[tilespmem:s7], [sflag:$0x1] =	stream.indirect.gather [hbm4b:s2+s6], $0x80, s6, s6, $0xb8;
	[tilespmem:$0x4100] =	vst v63  }
0x29: {  	_ =	swait.ge [sflag:s8], $0x4000  }
.Ltmp1:
0x2a: {  	[sflag:s8] =	ssyncset.done $0x0;
	(pc) =	sbr.rel @p0 .LBB2_1-.Ltmp1, $4  }
0x2b: {  	[sflag:s8] =	ssyncadd.s32 $0xFFFFC000  }
0x2c: {  	[hbm4b:s10+s3] =	stream.linear.scatter [tilespmem:s7], [sflag:$0x2], $0x4000, $0x38;
	[tilespmem:$0x4100] =	vst v63  }
0x2d: {  	_ =	swait.ge [sflag:s4], $0x4000  }
0x2e: {  	[sflag:s4] =	ssyncset.done $0x0  }
.LBB2_2:
0x2f: {  	[sflag:s4] =	ssyncadd.s32 $0xFFFFC000  }
0x30: {  	_ =	sfence.sel $0x180000  }
0x31: {  	[bflag:$0x0] =	sbarrier.arrive $0xFFFF  }
0x32: {  	p0 =	sne.s32 s0, $0x0;
	_ =	strace $0x90000047  }
0x33: {  	s0 =	sadd.s32 @!p0 $0x100000, s1;
	[bflag:$0x2] =	sbarrier.arrive $0xFFFF  }
0x34: {  	[sflag:s0] =	ssyncadd.tile.s32 @!p0 $0x1;
	_ =	shalt  }
.Lfunc_end2:
_tile_overlayer_lowered:
.L_overlay_start_2:
0x35: {  	(tag) =	ssettag $0x2  }
0x36: {  	s0 =	rddreg [dreg:$0x0];
	s2 =	stileid.u32  }
0x37: {  	s1 =	rddreg [dreg:$0x1];
	p0 =	sne.s32 s2, $0x0  }
0x38: {  	s3 =	rddreg [dreg:$0x2];
	[bflag:$0x3] =	sbarrier.arrive $0xFFFF;
	s2 =	simm.s32 @!p0 $0x1C02  }
0x39: {  	[timem:s3], [sflag:s2] =	dma.local @!p0 [hbm:s0], s1  }
0x3a: {  	s0 =	simm.s32 @!p0 $0x2  }
0x3b: {  	_ =	swait.ge @!p0 [sflag:s0], s1  }
0x3c: {  	s1 =	ssub.s32 @!p0 $0x0, s1;
	[sflag:s0] =	ssyncset.done @!p0 $0x0  }
0x3d: {  	[sflag:s0] =	ssyncadd.s32 @!p0 s1  }
0x3e: {  	[bflag:$0x3] =	sbarrier.arrive $0xFFFF  }
0x3f: {  	_ =	shalt  }

</sc_bundles>
